<compile_context>
chip_gen: v7x
topology: tpu7x:2x2x1
jax: 0.10.2.dev20260603
libtpu: 0.0.44.dev20260713+nightly
codegen_flags: <defaults>
</compile_context>

<pallas_src>
import jax
import jax.numpy as jnp
from jax import lax
from jax.experimental import pallas as pl
from jax.experimental.pallas import tpu as pltpu
from jax.experimental.pallas import tpu_sc as plsc

_B, _C, _H, _W = 16, 20, 128, 128
_N, _DIN, _D = 512, 256, 32
_HW = _H * _W
_CO = _C + _D
_TOTAL = _B * _CO * _HW
_SPAT = _C * _HW
_PLANE = _D * _HW
_NT = 16
_SLAB = _PLANE // _NT
_SPT = _SPAT // _NT
_WPB = _N * _D
_WPT = _WPB // _NT
_NSTR = _WPT // 128
_ZB = 2048
_BPC = _B // 2


def _tc_body(emb_ref, lh_ref, lw_ref, w_ref, b_ref,
             out_ref, data_ref, idx_ref):
    out_ref[...] = jnp.zeros((1, 1, 8, _W), jnp.float32)
    projT = lax.dot_general(w_ref[...], emb_ref[0], (((0,), (1,)), ((), ())),
                            preferred_element_type=jnp.float32)
    projT = jnp.maximum(projT + b_ref[0, 0][:, None], 0.0)
    lh = jnp.clip(lh_ref[0, 0], 0, _H - 1)
    lw = jnp.clip(lw_ref[0, 0], 0, _W - 1)
    p = lh * _W + lw
    same = p[:, None] == p[None, :]
    col = lax.broadcasted_iota(jnp.int32, (_N, _N), 1)
    row = lax.broadcasted_iota(jnp.int32, (_N, _N), 0)
    has_later = jnp.any(same & (col > row), axis=1)
    data_ref[...] = projT.reshape(_NT, 8, 128)
    p8 = jnp.concatenate([p.reshape(4, 128), p.reshape(4, 128)], axis=0)
    hl = has_later.astype(jnp.int32)
    hl8 = jnp.concatenate([hl.reshape(4, 128), hl.reshape(4, 128)], axis=0)
    dfac = 2 * lax.broadcasted_iota(jnp.int32, (_NT, 8, 128), 0) + \
        lax.broadcasted_iota(jnp.int32, (_NT, 8, 128), 1) // 4
    idx_ref[...] = jnp.where(hl8[None] > 0, _PLANE + dfac,
                             p8[None] + dfac * _HW)


def _sc_body(data_hbm, idx_hbm, spat_hbm, out_hbm,
             plane_a, plane_b, idx_v, data_v, sp_v, zbig,
             sem_a, sem_b, sem_si_a, sem_si_b, sem_so_a, sem_so_b,
             sem_ld, sem_sc):
    c = lax.axis_index("c")
    t = lax.axis_index("s")
    sems = (sem_a, sem_b)
    sems_si = (sem_si_a, sem_si_b)
    sems_so = (sem_so_a, sem_so_b)
    planes = (plane_a, plane_b)

    @pl.loop(0, _ZB // 16)
    def _zfill(i):
        zbig[pl.ds(i * 16, 16)] = jnp.zeros((16,), jnp.float32)

    for h in range(2):
        plane_h = planes[h]

        @pl.loop(0, _SLAB // _ZB)
        def _zslab(i):
            pltpu.sync_copy(zbig, plane_h.at[pl.ds(t * _SLAB + i * _ZB, _ZB)])

    plsc.subcore_barrier()

    @pl.loop(0, _BPC // 2)
    def _pair(g):
        for h in range(2):
            b = c * _BPC + g * 2 + h
            sem_h = sems[h]
            plane_h = planes[h]
            cur = idx_v.at[(g % 2) * 2 + h]
            old = idx_v.at[(1 - g % 2) * 2 + h]

            pltpu.async_copy(idx_hbm.at[b * _NT + t], cur, sem_ld)
            pltpu.async_copy(data_hbm.at[b * _NT + t], data_v, sem_ld)

            @pl.when(g > 0)
            def _recycle():
                pltpu.make_async_copy(spat_hbm.at[pl.ds(0, _SPT)],
                                      sp_v.at[h], sems_so[h]).wait()
                pltpu.make_async_copy(
                    out_hbm.at[pl.ds(0, _SLAB)],
                    plane_h.at[pl.ds(t * _SLAB, _SLAB)], sem_h).wait()
                plsc.subcore_barrier()
                for j in range(_NSTR):
                    pltpu.async_copy(zbig.at[pl.ds(0, 128)],
                                     plane_h.at[old.at[j]], sem_sc)
                pltpu.make_async_copy(data_hbm.at[0],
                                      data_v, sem_sc).wait()
                plsc.subcore_barrier()

            pltpu.async_copy(
                spat_hbm.at[pl.ds(b * _SPAT + t * _SPT, _SPT)],
                sp_v.at[h], sems_si[h])

            pltpu.make_async_copy(idx_hbm.at[0], cur, sem_ld).wait()
            pltpu.make_async_copy(data_hbm.at[0],
                                  data_v, sem_ld).wait()
            for j in range(_NSTR):
                pltpu.async_copy(data_v.at[j], plane_h.at[cur.at[j]], sem_sc)
            pltpu.make_async_copy(data_hbm.at[0],
                                  data_v, sem_sc).wait()
            plsc.subcore_barrier()
            pltpu.async_copy(
                plane_h.at[pl.ds(t * _SLAB, _SLAB)],
                out_hbm.at[pl.ds((b * _CO + _C) * _HW + t * _SLAB, _SLAB)],
                sem_h)
            pltpu.make_async_copy(spat_hbm.at[pl.ds(0, _SPT)],
                                  sp_v.at[h], sems_si[h]).wait()
            pltpu.async_copy(
                sp_v.at[h],
                out_hbm.at[pl.ds(b * _CO * _HW + t * _SPT, _SPT)],
                sems_so[h])

    for h in range(2):
        pltpu.make_async_copy(spat_hbm.at[pl.ds(0, _SPT)],
                              sp_v.at[h], sems_so[h]).wait()
        pltpu.make_async_copy(out_hbm.at[pl.ds(0, _SLAB)],
                              planes[h].at[pl.ds(t * _SLAB, _SLAB)],
                              sems[h]).wait()


def _make_sc_scatter():
    return pl.kernel(
        _sc_body,
        out_type=(),
        mesh=plsc.VectorSubcoreMesh(core_axis_name="c", subcore_axis_name="s"),
        scratch_types=[
            pltpu.VMEM_SHARED((_PLANE + 128,), jnp.float32),
            pltpu.VMEM_SHARED((_PLANE + 128,), jnp.float32),
            pltpu.VMEM((4, _NSTR, 128), jnp.int32),
            pltpu.VMEM((_NSTR, 128), jnp.float32),
            pltpu.VMEM((2, _SPT), jnp.float32),
            pltpu.VMEM((_ZB,), jnp.float32),
            pltpu.SemaphoreType.DMA,
            pltpu.SemaphoreType.DMA,
            pltpu.SemaphoreType.DMA,
            pltpu.SemaphoreType.DMA,
            pltpu.SemaphoreType.DMA,
            pltpu.SemaphoreType.DMA,
            pltpu.SemaphoreType.DMA,
            pltpu.SemaphoreType.DMA,
        ],
    )


def kernel(spatial_info, entity_embeddings, locations, W_proj, b_proj):
    lh = locations[..., 0].reshape(_B, 1, _N)
    lw = locations[..., 1].reshape(_B, 1, _N)
    b3 = b_proj.reshape(1, 1, _D)
    out0, data, idxw = pl.pallas_call(
        _tc_body,
        grid=(_B,),
        in_specs=[
            pl.BlockSpec((1, _N, _DIN), lambda b: (b, 0, 0)),
            pl.BlockSpec((1, 1, _N), lambda b: (b, 0, 0)),
            pl.BlockSpec((1, 1, _N), lambda b: (b, 0, 0)),
            pl.BlockSpec((_DIN, _D), lambda b: (0, 0)),
            pl.BlockSpec((1, 1, _D), lambda b: (0, 0, 0)),
        ],
        out_specs=[
            pl.BlockSpec((1, 1, 8, _W), lambda b: (0, 0, 0, 0)),
            pl.BlockSpec((_NT, 8, 128), lambda b: (b, 0, 0)),
            pl.BlockSpec((_NT, 8, 128), lambda b: (b, 0, 0)),
        ],
        out_shape=[
            jax.ShapeDtypeStruct((_B, _CO, _H, _W), jnp.float32),
            jax.ShapeDtypeStruct((_B * _NT, 8, 128), jnp.float32),
            jax.ShapeDtypeStruct((_B * _NT, 8, 128), jnp.int32),
        ],
    )(entity_embeddings, lh, lw, W_proj, b3)
    data_t = data
    idx_t = idxw
    spat_flat = spatial_info.reshape(_B * _SPAT)
    out_ref = jax.new_ref(out0.reshape(_TOTAL))
    _make_sc_scatter()(data_t, idx_t, spat_flat, out_ref)
    return jax.freeze(out_ref).reshape(_B, _CO, _H, _W)

# --- scband reference (transcript-rebuilt; emitter-appended) ---
"""Pipeline reference for scband-encoder-2534030705155 (READ-ONLY COPY).

The authoritative reference and input builder live on the scoring server;
editing this copy changes nothing except your own understanding.
"""

import jax, jax.numpy as jnp
import numpy as np


def setup_inputs(seed: int = 0) -> dict:
    key = jax.random.key(seed)
    k1, k2, k3, k4 = jax.random.split(key, 4)
    B, C, H, W = 16, 20, 128, 128
    N, Din, D = 512, 256, 32
    spatial_info = jax.random.normal(k1, (B, C, H, W), dtype=jnp.float32)
    entity_embeddings = jax.random.normal(k2, (B, N, Din), dtype=jnp.float32)
    locations = jax.random.randint(k3, (B, N, 2), 0, 128).astype(jnp.int32)
    W_proj = jax.random.normal(k4, (Din, D), dtype=jnp.float32) * 0.05
    b_proj = jnp.zeros((D,), dtype=jnp.float32)
    return {"spatial_info": spatial_info, "entity_embeddings": entity_embeddings,
            "locations": locations, "W_proj": W_proj, "b_proj": b_proj}


def reference(spatial_info, entity_embeddings, locations, W_proj, b_proj):
    # fc_block: linear projection + relu of entity embeddings
    proj = jax.nn.relu(jnp.einsum('bnd,de->bne', entity_embeddings, W_proj) + b_proj)  # [B, N, D]
    B, C, H, W = spatial_info.shape
    D = proj.shape[-1]
    # clamp locations to valid range (as in torch .clamp_)
    lh = jnp.clip(locations[..., 0], 0, H - 1)
    lw = jnp.clip(locations[..., 1], 0, W - 1)
    idx = lh * W + lw  # [B, N] flattened spatial index
    # scatter-overwrite per batch element into zero-initialized map
    scatter_map = jnp.zeros((B, H * W, D), dtype=proj.dtype)
    bidx = jnp.arange(B)[:, None]
    scatter_map = scatter_map.at[bidx, idx].set(proj)  # [B, H*W, D]
    scatter_map = scatter_map.reshape(B, H, W, D).transpose(0, 3, 1, 2)  # [B, D, H, W]
    return jnp.concatenate([spatial_info, scatter_map], axis=1)  # [B, C+D, H, W]

if __name__ == "__main__":
    import jax
    _d = setup_inputs()
    print(jax.jit(kernel)(*tuple(_d.values())))

</pallas_src>

<mosaic_0001>
#map = affine_map<(d0, d1) -> (0, 0, 0)>
#map1 = affine_map<(d0, d1) -> (0)>
module attributes {stable_mosaic.version = 14 : i64} {
  func.func @new_body(%arg0: i32, %arg1: i32, %arg2: memref<256x8x128xf32, #tpu.memory_space<hbm>>, %arg3: memref<256x8x128xi32, #tpu.memory_space<hbm>>, %arg4: memref<5242880xf32, #tpu.memory_space<hbm>>, %arg5: memref<13631488xf32, #tpu.memory_space<hbm>>, %arg6: memref<13631488xf32, #tpu.memory_space<hbm>>, %arg7: memref<524416xf32, #tpu.memory_space<vmem_shared>>, %arg8: memref<524416xf32, #tpu.memory_space<vmem_shared>>, %arg9: memref<4x8x128xi32, #tpu.memory_space<vmem>>, %arg10: memref<8x128xf32, #tpu.memory_space<vmem>>, %arg11: memref<2x20480xf32, #tpu.memory_space<vmem>>, %arg12: memref<2048xf32, #tpu.memory_space<vmem>>, %arg13: memref<!tpu.dma_semaphore, #tpu.memory_space<semaphore_mem>>, %arg14: memref<!tpu.dma_semaphore, #tpu.memory_space<semaphore_mem>>, %arg15: memref<!tpu.dma_semaphore, #tpu.memory_space<semaphore_mem>>, %arg16: memref<!tpu.dma_semaphore, #tpu.memory_space<semaphore_mem>>, %arg17: memref<!tpu.dma_semaphore, #tpu.memory_space<semaphore_mem>>, %arg18: memref<!tpu.dma_semaphore, #tpu.memory_space<semaphore_mem>>, %arg19: memref<!tpu.dma_semaphore, #tpu.memory_space<semaphore_mem>>, %arg20: memref<!tpu.dma_semaphore, #tpu.memory_space<semaphore_mem>>) attributes {dimension_semantics = [#tpu.dimension_semantics<core_parallel>, #tpu.dimension_semantics<subcore_parallel>], iteration_bounds = array<i64: 2, 16>, scalar_prefetch = 0 : i64, scratch_operands = 14 : i64, tpu.core_type = #tpu.core_type<sc_vector_subcore>, window_params = [{transform_indices = #map}, {transform_indices = #map}, {transform_indices = #map1}, {transform_indices = #map1}, {transform_indices = #map1}]} {
    %scan3A = arith.constant 0 : i32
    %scan3A_0 = arith.constant 128 : i32
    %scan3A_1 = arith.addi %scan3A, %scan3A_0 : i32
    %scan3A_2 = arith.constant 1 : i32
    scf.for %scan3A_49 = %scan3A to %scan3A_1 step %scan3A_2  : i32 {
      %mul3A_50 = arith.constant 1 : i32
      %mul3A_51 = arith.muli %scan3A_49, %mul3A_50 : i32
      %add3A = arith.constant 0 : i32
      %add3A_52 = arith.addi %add3A, %mul3A_51 : i32
      %broadcast_in_dim3A = arith.constant 0.000000e+00 : f32
      %broadcast_in_dim3A_53 = vector.broadcast %broadcast_in_dim3A : f32 to vector<16xf32>
      %mul3A_54 = arith.constant 16 : i32
      %mul3A_55 = arith.muli %add3A_52, %mul3A_54 : i32
      %swap3A = arith.index_cast %mul3A_55 : i32 to index
      %swap3A_56 = tpu.vector_load %arg12[%swap3A] {strides = array<i32>} : memref<2048xf32, #tpu.memory_space<vmem>>, vector<16xf32>,
      %swap3A_57 = vector.shape_cast %swap3A_56 : vector<16xf32> to vector<16xf32>
      %swap3A_58 = vector.shape_cast %broadcast_in_dim3A_53 : vector<16xf32> to vector<16xf32>
      tpu.vector_store %arg12[%swap3A], %swap3A_58 {strides = array<i32>} : memref<2048xf32, #tpu.memory_space<vmem>>, vector<16xf32>,
    }
    %scan3A_3 = arith.constant 128 : i32
    %scan3A_4 = arith.constant 0 : i32
    %scan3A_5 = arith.constant 16 : i32
    %scan3A_6 = arith.addi %scan3A_4, %scan3A_5 : i32
    %scan3A_7 = arith.constant 1 : i32
    scf.for %scan3A_49 = %scan3A_4 to %scan3A_6 step %scan3A_7  : i32 {
      %mul3A_50 = arith.constant 1 : i32
      %mul3A_51 = arith.muli %scan3A_49, %mul3A_50 : i32
      %add3A = arith.constant 0 : i32
      %add3A_52 = arith.addi %add3A, %mul3A_51 : i32
      %mul3A_53 = arith.constant 32768 : i32
      %mul3A_54 = arith.muli %arg1, %mul3A_53 : i32
      %mul3A_55 = arith.constant 2048 : i32
      %mul3A_56 = arith.muli %add3A_52, %mul3A_55 : i32
      %add3A_57 = arith.addi %mul3A_54, %mul3A_56 : i32
      "tpu.region"() ({
        %run_scoped3A = tpu.sem_alloc : memref<!tpu.dma_semaphore, #tpu.memory_space<semaphore_mem>>
        %dma_start3A = tpu.memref_slice %arg7[%add3A_57] : memref<524416xf32, #tpu.memory_space<vmem_shared>> -> memref<2048xf32, #tpu.memory_space<vmem_shared>>
        %dma_start3A_58 = tpu.memref_slice %arg7[%add3A_57] : memref<524416xf32, #tpu.memory_space<vmem_shared>> -> memref<2048xf32, #tpu.memory_space<vmem_shared>>
        tpu.enqueue_dma source(%arg12 : memref<2048xf32, #tpu.memory_space<vmem>>) target(%dma_start3A_58 : memref<2048xf32, #tpu.memory_space<vmem_shared>>) target_semaphore(%run_scoped3A : memref<!tpu.dma_semaphore, #tpu.memory_space<semaphore_mem>>)
        %dma_wait3A_59 = tpu.memref_slice %arg7[%add3A_57] : memref<524416xf32, #tpu.memory_space<vmem_shared>> -> memref<2048xf32, #tpu.memory_space<vmem_shared>>
        %dma_wait3A_60 = tpu.memref_slice %arg7[%add3A_57] : memref<524416xf32, #tpu.memory_space<vmem_shared>> -> memref<2048xf32, #tpu.memory_space<vmem_shared>>
        tpu.wait_dma2 semaphore(%run_scoped3A : memref<!tpu.dma_semaphore, #tpu.memory_space<semaphore_mem>>) src(%arg12 : memref<2048xf32, #tpu.memory_space<vmem>>) dst(%dma_wait3A_60 : memref<2048xf32, #tpu.memory_space<vmem_shared>>)
        tpu.yield
      }) : () -> ()
    }
    %scan3A_8 = arith.constant 16 : i32
    %scan3A_9 = arith.constant 0 : i32
    %scan3A_10 = arith.constant 16 : i32
    %scan3A_11 = arith.addi %scan3A_9, %scan3A_10 : i32
    %scan3A_12 = arith.constant 1 : i32
    scf.for %scan3A_49 = %scan3A_9 to %scan3A_11 step %scan3A_12  : i32 {
      %mul3A_50 = arith.constant 1 : i32
      %mul3A_51 = arith.muli %scan3A_49, %mul3A_50 : i32
      %add3A = arith.constant 0 : i32
      %add3A_52 = arith.addi %add3A, %mul3A_51 : i32
      %mul3A_53 = arith.constant 32768 : i32
      %mul3A_54 = arith.muli %arg1, %mul3A_53 : i32
      %mul3A_55 = arith.constant 2048 : i32
      %mul3A_56 = arith.muli %add3A_52, %mul3A_55 : i32
      %add3A_57 = arith.addi %mul3A_54, %mul3A_56 : i32
      "tpu.region"() ({
        %run_scoped3A = tpu.sem_alloc : memref<!tpu.dma_semaphore, #tpu.memory_space<semaphore_mem>>
        %dma_start3A = tpu.memref_slice %arg8[%add3A_57] : memref<524416xf32, #tpu.memory_space<vmem_shared>> -> memref<2048xf32, #tpu.memory_space<vmem_shared>>
        %dma_start3A_58 = tpu.memref_slice %arg8[%add3A_57] : memref<524416xf32, #tpu.memory_space<vmem_shared>> -> memref<2048xf32, #tpu.memory_space<vmem_shared>>
        tpu.enqueue_dma source(%arg12 : memref<2048xf32, #tpu.memory_space<vmem>>) target(%dma_start3A_58 : memref<2048xf32, #tpu.memory_space<vmem_shared>>) target_semaphore(%run_scoped3A : memref<!tpu.dma_semaphore, #tpu.memory_space<semaphore_mem>>)
        %dma_wait3A_59 = tpu.memref_slice %arg8[%add3A_57] : memref<524416xf32, #tpu.memory_space<vmem_shared>> -> memref<2048xf32, #tpu.memory_space<vmem_shared>>
        %dma_wait3A_60 = tpu.memref_slice %arg8[%add3A_57] : memref<524416xf32, #tpu.memory_space<vmem_shared>> -> memref<2048xf32, #tpu.memory_space<vmem_shared>>
        tpu.wait_dma2 semaphore(%run_scoped3A : memref<!tpu.dma_semaphore, #tpu.memory_space<semaphore_mem>>) src(%arg12 : memref<2048xf32, #tpu.memory_space<vmem>>) dst(%dma_wait3A_60 : memref<2048xf32, #tpu.memory_space<vmem_shared>>)
        tpu.yield
      }) : () -> ()
    }
    %scan3A_13 = arith.constant 16 : i32
    %barrier3A = arith.constant 0 : index
    tpu.barrier barrier_id(%barrier3A)
    %scan3A_14 = arith.constant 0 : i32
    %scan3A_15 = arith.constant 4 : i32
    %scan3A_16 = arith.addi %scan3A_14, %scan3A_15 : i32
    %scan3A_17 = arith.constant 1 : i32
    scf.for %scan3A_49 = %scan3A_14 to %scan3A_16 step %scan3A_17  : i32 {
      %mul3A_50 = arith.constant 1 : i32
      %mul3A_51 = arith.muli %scan3A_49, %mul3A_50 : i32
      %add3A = arith.constant 0 : i32
      %add3A_52 = arith.addi %add3A, %mul3A_51 : i32
      %mul3A_53 = arith.constant 8 : i32
      %mul3A_54 = arith.muli %arg0, %mul3A_53 : i32
      %mul3A_55 = arith.constant 2 : i32
      %mul3A_56 = arith.muli %add3A_52, %mul3A_55 : i32
      %add3A_57 = arith.addi %mul3A_54, %mul3A_56 : i32
      %add3A_58 = arith.constant 0 : i32
      %add3A_59 = arith.addi %add3A_57, %add3A_58 : i32
      %jit3A = arith.constant 2 : i32
      %eq3A = arith.constant 0 : i32
      %eq3A_60 = arith.cmpi eq, %jit3A, %eq3A : i32
      %jit3A_61 = arith.constant 1 : i32
      %select_n3A = arith.select %eq3A_60, %jit3A_61, %jit3A : i32
      %rem3A = arith.remsi %add3A_52, %select_n3A : i32
      %ne3A = arith.constant 0 : i32
      %ne3A_62 = arith.cmpi ne, %rem3A, %ne3A : i32
      %lt3A = arith.constant 0 : i32
      %lt3A_63 = arith.cmpi slt, %rem3A, %lt3A : i32
      %lt3A_64 = arith.constant 0 : i32
      %lt3A_65 = arith.cmpi slt, %select_n3A, %lt3A_64 : i32
      %ne3A_66 = arith.xori %lt3A_63, %lt3A_65 : i1
      %and3A = arith.andi %ne3A_66, %ne3A_62 : i1
      %add3A_67 = arith.addi %rem3A, %select_n3A : i32
      %select_n3A_68 = arith.select %and3A, %add3A_67, %rem3A : i32
      %mul3A_69 = arith.constant 2 : i32
      %mul3A_70 = arith.muli %select_n3A_68, %mul3A_69 : i32
      %add3A_71 = arith.constant 0 : i32
      %add3A_72 = arith.addi %mul3A_70, %add3A_71 : i32
      %jit3A_73 = arith.constant 2 : i32
      %eq3A_74 = arith.constant 0 : i32
      %eq3A_75 = arith.cmpi eq, %jit3A_73, %eq3A_74 : i32
      %jit3A_76 = arith.constant 1 : i32
      %select_n3A_77 = arith.select %eq3A_75, %jit3A_76, %jit3A_73 : i32
      %rem3A_78 = arith.remsi %add3A_52, %select_n3A_77 : i32
      %ne3A_79 = arith.constant 0 : i32
      %ne3A_80 = arith.cmpi ne, %rem3A_78, %ne3A_79 : i32
      %lt3A_81 = arith.constant 0 : i32
      %lt3A_82 = arith.cmpi slt, %rem3A_78, %lt3A_81 : i32
      %lt3A_83 = arith.constant 0 : i32
      %lt3A_84 = arith.cmpi slt, %select_n3A_77, %lt3A_83 : i32
      %ne3A_85 = arith.xori %lt3A_82, %lt3A_84 : i1
      %and3A_86 = arith.andi %ne3A_85, %ne3A_80 : i1
      %add3A_87 = arith.addi %rem3A_78, %select_n3A_77 : i32
      %select_n3A_88 = arith.select %and3A_86, %add3A_87, %rem3A_78 : i32
      %sub3A = arith.constant 1 : i32
      %sub3A_89 = arith.subi %sub3A, %select_n3A_88 : i32
      %mul3A_90 = arith.constant 2 : i32
      %mul3A_91 = arith.muli %sub3A_89, %mul3A_90 : i32
      %add3A_92 = arith.constant 0 : i32
      %add3A_93 = arith.addi %mul3A_91, %add3A_92 : i32
      %mul3A_94 = arith.constant 16 : i32
      %mul3A_95 = arith.muli %add3A_59, %mul3A_94 : i32
      %add3A_96 = arith.addi %mul3A_95, %arg1 : i32
      %dma_start3A = arith.constant 0 : i32
      %dma_start3A_97 = arith.constant 0 : i32
      %dma_start3A_98 = tpu.memref_slice %arg9[%add3A_72, %dma_start3A, %dma_start3A_97] : memref<4x8x128xi32, #tpu.memory_space<vmem>> -> memref<1x8x128xi32, #tpu.memory_space<vmem>>
      %dma_start3A_99 = tpu.memref_squeeze %dma_start3A_98 : memref<1x8x128xi32, #tpu.memory_space<vmem>> -> memref<8x128xi32, #tpu.memory_space<vmem>>
      %dma_start3A_100 = arith.constant 0 : i32
      %dma_start3A_101 = arith.constant 0 : i32
      %dma_start3A_102 = tpu.memref_slice %arg3[%add3A_96, %dma_start3A_100, %dma_start3A_101] : memref<256x8x128xi32, #tpu.memory_space<hbm>> -> memref<1x8x128xi32, #tpu.memory_space<hbm>>
      %dma_start3A_103 = tpu.memref_squeeze %dma_start3A_102 : memref<1x8x128xi32, #tpu.memory_space<hbm>> -> memref<8x128xi32, #tpu.memory_space<hbm>>
      %dma_start3A_104 = arith.constant 0 : i32
      %dma_start3A_105 = arith.constant 0 : i32
      %dma_start3A_106 = tpu.memref_slice %arg9[%add3A_72, %dma_start3A_104, %dma_start3A_105] : memref<4x8x128xi32, #tpu.memory_space<vmem>> -> memref<1x8x128xi32, #tpu.memory_space<vmem>>
      %dma_start3A_107 = tpu.memref_squeeze %dma_start3A_106 : memref<1x8x128xi32, #tpu.memory_space<vmem>> -> memref<8x128xi32, #tpu.memory_space<vmem>>
      %dma_start3A_108 = arith.constant 0 : i32
      %dma_start3A_109 = arith.constant 0 : i32
      %dma_start3A_110 = tpu.memref_slice %arg3[%add3A_96, %dma_start3A_108, %dma_start3A_109] : memref<256x8x128xi32, #tpu.memory_space<hbm>> -> memref<1x8x128xi32, #tpu.memory_space<hbm>>
      %dma_start3A_111 = tpu.memref_squeeze %dma_start3A_110 : memref<1x8x128xi32, #tpu.memory_space<hbm>> -> memref<8x128xi32, #tpu.memory_space<hbm>>
      tpu.enqueue_dma source(%dma_start3A_111 : memref<8x128xi32, #tpu.memory_space<hbm>>) target(%dma_start3A_107 : memref<8x128xi32, #tpu.memory_space<vmem>>) target_semaphore(%arg19 : memref<!tpu.dma_semaphore, #tpu.memory_space<semaphore_mem>>)
      %mul3A_112 = arith.constant 16 : i32
      %mul3A_113 = arith.muli %add3A_59, %mul3A_112 : i32
      %add3A_114 = arith.addi %mul3A_113, %arg1 : i32
      %dma_start3A_115 = arith.constant 0 : i32
      %dma_start3A_116 = arith.constant 0 : i32
      %dma_start3A_117 = tpu.memref_slice %arg2[%add3A_114, %dma_start3A_115, %dma_start3A_116] : memref<256x8x128xf32, #tpu.memory_space<hbm>> -> memref<1x8x128xf32, #tpu.memory_space<hbm>>
      %dma_start3A_118 = tpu.memref_squeeze %dma_start3A_117 : memref<1x8x128xf32, #tpu.memory_space<hbm>> -> memref<8x128xf32, #tpu.memory_space<hbm>>
      %dma_start3A_119 = arith.constant 0 : i32
      %dma_start3A_120 = arith.constant 0 : i32
      %dma_start3A_121 = tpu.memref_slice %arg2[%add3A_114, %dma_start3A_119, %dma_start3A_120] : memref<256x8x128xf32, #tpu.memory_space<hbm>> -> memref<1x8x128xf32, #tpu.memory_space<hbm>>
      %dma_start3A_122 = tpu.memref_squeeze %dma_start3A_121 : memref<1x8x128xf32, #tpu.memory_space<hbm>> -> memref<8x128xf32, #tpu.memory_space<hbm>>
      tpu.enqueue_dma source(%dma_start3A_122 : memref<8x128xf32, #tpu.memory_space<hbm>>) target(%arg10 : memref<8x128xf32, #tpu.memory_space<vmem>>) target_semaphore(%arg19 : memref<!tpu.dma_semaphore, #tpu.memory_space<semaphore_mem>>)
      %gt3A = arith.constant 0 : i32
      %gt3A_123 = arith.cmpi sgt, %add3A_52, %gt3A : i32
      %convert_element_type3A = arith.extui %gt3A_123 : i1 to i32
      %cond3A = arith.constant 0 : i32
      %cond3A_124 = arith.cmpi ne, %convert_element_type3A, %cond3A : i32
      scf.if %cond3A_124 {
        %dma_wait3A_613 = arith.constant 0 : i32
        %dma_wait3A_614 = arith.constant 0 : i32
        %dma_wait3A_615 = tpu.memref_slice %arg11[%dma_wait3A_613, %dma_wait3A_614] : memref<2x20480xf32, #tpu.memory_space<vmem>> -> memref<1x20480xf32, #tpu.memory_space<vmem>>
        %dma_wait3A_616 = tpu.memref_squeeze %dma_wait3A_615 : memref<1x20480xf32, #tpu.memory_space<vmem>> -> memref<20480xf32, #tpu.memory_space<vmem>>
        %dma_wait3A_617 = arith.constant 0 : i32
        %dma_wait3A_618 = tpu.memref_slice %arg4[%dma_wait3A_617] : memref<5242880xf32, #tpu.memory_space<hbm>> -> memref<20480xf32, #tpu.memory_space<hbm>>
        %dma_wait3A_619 = arith.constant 0 : i32
        %dma_wait3A_620 = tpu.memref_slice %arg11[%dma_wait3A_613, %dma_wait3A_619] : memref<2x20480xf32, #tpu.memory_space<vmem>> -> memref<1x20480xf32, #tpu.memory_space<vmem>>
        %dma_wait3A_621 = tpu.memref_squeeze %dma_wait3A_620 : memref<1x20480xf32, #tpu.memory_space<vmem>> -> memref<20480xf32, #tpu.memory_space<vmem>>
        %dma_wait3A_622 = arith.constant 0 : i32
        %dma_wait3A_623 = tpu.memref_slice %arg4[%dma_wait3A_622] : memref<5242880xf32, #tpu.memory_space<hbm>> -> memref<20480xf32, #tpu.memory_space<hbm>>
        tpu.wait_dma2 semaphore(%arg17 : memref<!tpu.dma_semaphore, #tpu.memory_space<semaphore_mem>>) src(%dma_wait3A_623 : memref<20480xf32, #tpu.memory_space<hbm>>) dst(%dma_wait3A_621 : memref<20480xf32, #tpu.memory_space<vmem>>)
        %mul3A_624 = arith.constant 32768 : i32
        %mul3A_625 = arith.muli %arg1, %mul3A_624 : i32
        %dma_wait3A_626 = tpu.memref_slice %arg7[%mul3A_625] : memref<524416xf32, #tpu.memory_space<vmem_shared>> -> memref<32768xf32, #tpu.memory_space<vmem_shared>>
        %dma_wait3A_627 = arith.constant 0 : i32
        %dma_wait3A_628 = tpu.memref_slice %arg5[%dma_wait3A_627] : memref<13631488xf32, #tpu.memory_space<hbm>> -> memref<32768xf32, #tpu.memory_space<hbm>>
        tpu.wait_dma2 semaphore(%arg13 : memref<!tpu.dma_semaphore, #tpu.memory_space<semaphore_mem>>) src(%dma_wait3A_628 : memref<32768xf32, #tpu.memory_space<hbm>>) dst(%dma_wait3A_626 : memref<32768xf32, #tpu.memory_space<vmem_shared>>)
        %barrier3A_629 = arith.constant 0 : index
        tpu.barrier barrier_id(%barrier3A_629)
        %dma_start3A_630 = arith.constant 0 : i32
        %dma_start3A_631 = arith.constant 0 : i32
        %dma_start3A_632 = tpu.memref_slice %arg12[%dma_start3A_631] : memref<2048xf32, #tpu.memory_space<vmem>> -> memref<128xf32, #tpu.memory_space<vmem>>
        %dma_start3A_633 = arith.constant 0 : i32
        %dma_start3A_634 = arith.constant 0 : i32
        %dma_start3A_635 = tpu.memref_slice %arg9[%add3A_93, %dma_start3A_633, %dma_start3A_634] : memref<4x8x128xi32, #tpu.memory_space<vmem>> -> memref<1x8x128xi32, #tpu.memory_space<vmem>>
        %dma_start3A_636 = tpu.memref_squeeze %dma_start3A_635 : memref<1x8x128xi32, #tpu.memory_space<vmem>> -> memref<8x128xi32, #tpu.memory_space<vmem>>
        %dma_start3A_637 = arith.constant 0 : i32
        %dma_start3A_638 = tpu.memref_slice %dma_start3A_636[%dma_start3A_630, %dma_start3A_637] : memref<8x128xi32, #tpu.memory_space<vmem>> -> memref<1x128xi32, #tpu.memory_space<vmem>>
        %dma_start3A_639 = tpu.memref_squeeze %dma_start3A_638 : memref<1x128xi32, #tpu.memory_space<vmem>> -> memref<128xi32, #tpu.memory_space<vmem>>
        %dma_start3A_640 = arith.constant 0 : i32
        %dma_start3A_641 = tpu.memref_slice %arg7[%dma_start3A_640] : memref<524416xf32, #tpu.memory_space<vmem_shared>> -> memref<524416xf32, #tpu.memory_space<vmem_shared>>
        tpu.enqueue_indirect_dma source(%dma_start3A_632 : memref<128xf32, #tpu.memory_space<vmem>>) target(%dma_start3A_641 : memref<524416xf32, #tpu.memory_space<vmem_shared>>) offsets(%dma_start3A_639 : memref<128xi32, #tpu.memory_space<vmem>>) semaphore(%arg20 : memref<!tpu.dma_semaphore, #tpu.memory_space<semaphore_mem>>)
        %dma_start3A_642 = arith.constant 1 : i32
        %dma_start3A_643 = arith.constant 0 : i32
        %dma_start3A_644 = tpu.memref_slice %arg12[%dma_start3A_643] : memref<2048xf32, #tpu.memory_space<vmem>> -> memref<128xf32, #tpu.memory_space<vmem>>
        %dma_start3A_645 = arith.constant 0 : i32
        %dma_start3A_646 = arith.constant 0 : i32
        %dma_start3A_647 = tpu.memref_slice %arg9[%add3A_93, %dma_start3A_645, %dma_start3A_646] : memref<4x8x128xi32, #tpu.memory_space<vmem>> -> memref<1x8x128xi32, #tpu.memory_space<vmem>>
        %dma_start3A_648 = tpu.memref_squeeze %dma_start3A_647 : memref<1x8x128xi32, #tpu.memory_space<vmem>> -> memref<8x128xi32, #tpu.memory_space<vmem>>
        %dma_start3A_649 = arith.constant 0 : i32
        %dma_start3A_650 = tpu.memref_slice %dma_start3A_648[%dma_start3A_642, %dma_start3A_649] : memref<8x128xi32, #tpu.memory_space<vmem>> -> memref<1x128xi32, #tpu.memory_space<vmem>>
        %dma_start3A_651 = tpu.memref_squeeze %dma_start3A_650 : memref<1x128xi32, #tpu.memory_space<vmem>> -> memref<128xi32, #tpu.memory_space<vmem>>
        %dma_start3A_652 = arith.constant 0 : i32
        %dma_start3A_653 = tpu.memref_slice %arg7[%dma_start3A_652] : memref<524416xf32, #tpu.memory_space<vmem_shared>> -> memref<524416xf32, #tpu.memory_space<vmem_shared>>
        tpu.enqueue_indirect_dma source(%dma_start3A_644 : memref<128xf32, #tpu.memory_space<vmem>>) target(%dma_start3A_653 : memref<524416xf32, #tpu.memory_space<vmem_shared>>) offsets(%dma_start3A_651 : memref<128xi32, #tpu.memory_space<vmem>>) semaphore(%arg20 : memref<!tpu.dma_semaphore, #tpu.memory_space<semaphore_mem>>)
        %dma_start3A_654 = arith.constant 2 : i32
        %dma_start3A_655 = arith.constant 0 : i32
        %dma_start3A_656 = tpu.memref_slice %arg12[%dma_start3A_655] : memref<2048xf32, #tpu.memory_space<vmem>> -> memref<128xf32, #tpu.memory_space<vmem>>
        %dma_start3A_657 = arith.constant 0 : i32
        %dma_start3A_658 = arith.constant 0 : i32
        %dma_start3A_659 = tpu.memref_slice %arg9[%add3A_93, %dma_start3A_657, %dma_start3A_658] : memref<4x8x128xi32, #tpu.memory_space<vmem>> -> memref<1x8x128xi32, #tpu.memory_space<vmem>>
        %dma_start3A_660 = tpu.memref_squeeze %dma_start3A_659 : memref<1x8x128xi32, #tpu.memory_space<vmem>> -> memref<8x128xi32, #tpu.memory_space<vmem>>
        %dma_start3A_661 = arith.constant 0 : i32
        %dma_start3A_662 = tpu.memref_slice %dma_start3A_660[%dma_start3A_654, %dma_start3A_661] : memref<8x128xi32, #tpu.memory_space<vmem>> -> memref<1x128xi32, #tpu.memory_space<vmem>>
        %dma_start3A_663 = tpu.memref_squeeze %dma_start3A_662 : memref<1x128xi32, #tpu.memory_space<vmem>> -> memref<128xi32, #tpu.memory_space<vmem>>
        %dma_start3A_664 = arith.constant 0 : i32
        %dma_start3A_665 = tpu.memref_slice %arg7[%dma_start3A_664] : memref<524416xf32, #tpu.memory_space<vmem_shared>> -> memref<524416xf32, #tpu.memory_space<vmem_shared>>
        tpu.enqueue_indirect_dma source(%dma_start3A_656 : memref<128xf32, #tpu.memory_space<vmem>>) target(%dma_start3A_665 : memref<524416xf32, #tpu.memory_space<vmem_shared>>) offsets(%dma_start3A_663 : memref<128xi32, #tpu.memory_space<vmem>>) semaphore(%arg20 : memref<!tpu.dma_semaphore, #tpu.memory_space<semaphore_mem>>)
        %dma_start3A_666 = arith.constant 3 : i32
        %dma_start3A_667 = arith.constant 0 : i32
        %dma_start3A_668 = tpu.memref_slice %arg12[%dma_start3A_667] : memref<2048xf32, #tpu.memory_space<vmem>> -> memref<128xf32, #tpu.memory_space<vmem>>
        %dma_start3A_669 = arith.constant 0 : i32
        %dma_start3A_670 = arith.constant 0 : i32
        %dma_start3A_671 = tpu.memref_slice %arg9[%add3A_93, %dma_start3A_669, %dma_start3A_670] : memref<4x8x128xi32, #tpu.memory_space<vmem>> -> memref<1x8x128xi32, #tpu.memory_space<vmem>>
        %dma_start3A_672 = tpu.memref_squeeze %dma_start3A_671 : memref<1x8x128xi32, #tpu.memory_space<vmem>> -> memref<8x128xi32, #tpu.memory_space<vmem>>
        %dma_start3A_673 = arith.constant 0 : i32
        %dma_start3A_674 = tpu.memref_slice %dma_start3A_672[%dma_start3A_666, %dma_start3A_673] : memref<8x128xi32, #tpu.memory_space<vmem>> -> memref<1x128xi32, #tpu.memory_space<vmem>>
        %dma_start3A_675 = tpu.memref_squeeze %dma_start3A_674 : memref<1x128xi32, #tpu.memory_space<vmem>> -> memref<128xi32, #tpu.memory_space<vmem>>
        %dma_start3A_676 = arith.constant 0 : i32
        %dma_start3A_677 = tpu.memref_slice %arg7[%dma_start3A_676] : memref<524416xf32, #tpu.memory_space<vmem_shared>> -> memref<524416xf32, #tpu.memory_space<vmem_shared>>
        tpu.enqueue_indirect_dma source(%dma_start3A_668 : memref<128xf32, #tpu.memory_space<vmem>>) target(%dma_start3A_677 : memref<524416xf32, #tpu.memory_space<vmem_shared>>) offsets(%dma_start3A_675 : memref<128xi32, #tpu.memory_space<vmem>>) semaphore(%arg20 : memref<!tpu.dma_semaphore, #tpu.memory_space<semaphore_mem>>)
        %dma_start3A_678 = arith.constant 4 : i32
        %dma_start3A_679 = arith.constant 0 : i32
        %dma_start3A_680 = tpu.memref_slice %arg12[%dma_start3A_679] : memref<2048xf32, #tpu.memory_space<vmem>> -> memref<128xf32, #tpu.memory_space<vmem>>
        %dma_start3A_681 = arith.constant 0 : i32
        %dma_start3A_682 = arith.constant 0 : i32
        %dma_start3A_683 = tpu.memref_slice %arg9[%add3A_93, %dma_start3A_681, %dma_start3A_682] : memref<4x8x128xi32, #tpu.memory_space<vmem>> -> memref<1x8x128xi32, #tpu.memory_space<vmem>>
        %dma_start3A_684 = tpu.memref_squeeze %dma_start3A_683 : memref<1x8x128xi32, #tpu.memory_space<vmem>> -> memref<8x128xi32, #tpu.memory_space<vmem>>
        %dma_start3A_685 = arith.constant 0 : i32
        %dma_start3A_686 = tpu.memref_slice %dma_start3A_684[%dma_start3A_678, %dma_start3A_685] : memref<8x128xi32, #tpu.memory_space<vmem>> -> memref<1x128xi32, #tpu.memory_space<vmem>>
        %dma_start3A_687 = tpu.memref_squeeze %dma_start3A_686 : memref<1x128xi32, #tpu.memory_space<vmem>> -> memref<128xi32, #tpu.memory_space<vmem>>
        %dma_start3A_688 = arith.constant 0 : i32
        %dma_start3A_689 = tpu.memref_slice %arg7[%dma_start3A_688] : memref<524416xf32, #tpu.memory_space<vmem_shared>> -> memref<524416xf32, #tpu.memory_space<vmem_shared>>
        tpu.enqueue_indirect_dma source(%dma_start3A_680 : memref<128xf32, #tpu.memory_space<vmem>>) target(%dma_start3A_689 : memref<524416xf32, #tpu.memory_space<vmem_shared>>) offsets(%dma_start3A_687 : memref<128xi32, #tpu.memory_space<vmem>>) semaphore(%arg20 : memref<!tpu.dma_semaphore, #tpu.memory_space<semaphore_mem>>)
        %dma_start3A_690 = arith.constant 5 : i32
        %dma_start3A_691 = arith.constant 0 : i32
        %dma_start3A_692 = tpu.memref_slice %arg12[%dma_start3A_691] : memref<2048xf32, #tpu.memory_space<vmem>> -> memref<128xf32, #tpu.memory_space<vmem>>
        %dma_start3A_693 = arith.constant 0 : i32
        %dma_start3A_694 = arith.constant 0 : i32
        %dma_start3A_695 = tpu.memref_slice %arg9[%add3A_93, %dma_start3A_693, %dma_start3A_694] : memref<4x8x128xi32, #tpu.memory_space<vmem>> -> memref<1x8x128xi32, #tpu.memory_space<vmem>>
        %dma_start3A_696 = tpu.memref_squeeze %dma_start3A_695 : memref<1x8x128xi32, #tpu.memory_space<vmem>> -> memref<8x128xi32, #tpu.memory_space<vmem>>
        %dma_start3A_697 = arith.constant 0 : i32
        %dma_start3A_698 = tpu.memref_slice %dma_start3A_696[%dma_start3A_690, %dma_start3A_697] : memref<8x128xi32, #tpu.memory_space<vmem>> -> memref<1x128xi32, #tpu.memory_space<vmem>>
        %dma_start3A_699 = tpu.memref_squeeze %dma_start3A_698 : memref<1x128xi32, #tpu.memory_space<vmem>> -> memref<128xi32, #tpu.memory_space<vmem>>
        %dma_start3A_700 = arith.constant 0 : i32
        %dma_start3A_701 = tpu.memref_slice %arg7[%dma_start3A_700] : memref<524416xf32, #tpu.memory_space<vmem_shared>> -> memref<524416xf32, #tpu.memory_space<vmem_shared>>
        tpu.enqueue_indirect_dma source(%dma_start3A_692 : memref<128xf32, #tpu.memory_space<vmem>>) target(%dma_start3A_701 : memref<524416xf32, #tpu.memory_space<vmem_shared>>) offsets(%dma_start3A_699 : memref<128xi32, #tpu.memory_space<vmem>>) semaphore(%arg20 : memref<!tpu.dma_semaphore, #tpu.memory_space<semaphore_mem>>)
        %dma_start3A_702 = arith.constant 6 : i32
        %dma_start3A_703 = arith.constant 0 : i32
        %dma_start3A_704 = tpu.memref_slice %arg12[%dma_start3A_703] : memref<2048xf32, #tpu.memory_space<vmem>> -> memref<128xf32, #tpu.memory_space<vmem>>
        %dma_start3A_705 = arith.constant 0 : i32
        %dma_start3A_706 = arith.constant 0 : i32
        %dma_start3A_707 = tpu.memref_slice %arg9[%add3A_93, %dma_start3A_705, %dma_start3A_706] : memref<4x8x128xi32, #tpu.memory_space<vmem>> -> memref<1x8x128xi32, #tpu.memory_space<vmem>>
        %dma_start3A_708 = tpu.memref_squeeze %dma_start3A_707 : memref<1x8x128xi32, #tpu.memory_space<vmem>> -> memref<8x128xi32, #tpu.memory_space<vmem>>
        %dma_start3A_709 = arith.constant 0 : i32
        %dma_start3A_710 = tpu.memref_slice %dma_start3A_708[%dma_start3A_702, %dma_start3A_709] : memref<8x128xi32, #tpu.memory_space<vmem>> -> memref<1x128xi32, #tpu.memory_space<vmem>>
        %dma_start3A_711 = tpu.memref_squeeze %dma_start3A_710 : memref<1x128xi32, #tpu.memory_space<vmem>> -> memref<128xi32, #tpu.memory_space<vmem>>
        %dma_start3A_712 = arith.constant 0 : i32
        %dma_start3A_713 = tpu.memref_slice %arg7[%dma_start3A_712] : memref<524416xf32, #tpu.memory_space<vmem_shared>> -> memref<524416xf32, #tpu.memory_space<vmem_shared>>
        tpu.enqueue_indirect_dma source(%dma_start3A_704 : memref<128xf32, #tpu.memory_space<vmem>>) target(%dma_start3A_713 : memref<524416xf32, #tpu.memory_space<vmem_shared>>) offsets(%dma_start3A_711 : memref<128xi32, #tpu.memory_space<vmem>>) semaphore(%arg20 : memref<!tpu.dma_semaphore, #tpu.memory_space<semaphore_mem>>)
        %dma_start3A_714 = arith.constant 7 : i32
        %dma_start3A_715 = arith.constant 0 : i32
        %dma_start3A_716 = tpu.memref_slice %arg12[%dma_start3A_715] : memref<2048xf32, #tpu.memory_space<vmem>> -> memref<128xf32, #tpu.memory_space<vmem>>
        %dma_start3A_717 = arith.constant 0 : i32
        %dma_start3A_718 = arith.constant 0 : i32
        %dma_start3A_719 = tpu.memref_slice %arg9[%add3A_93, %dma_start3A_717, %dma_start3A_718] : memref<4x8x128xi32, #tpu.memory_space<vmem>> -> memref<1x8x128xi32, #tpu.memory_space<vmem>>
        %dma_start3A_720 = tpu.memref_squeeze %dma_start3A_719 : memref<1x8x128xi32, #tpu.memory_space<vmem>> -> memref<8x128xi32, #tpu.memory_space<vmem>>
        %dma_start3A_721 = arith.constant 0 : i32
        %dma_start3A_722 = tpu.memref_slice %dma_start3A_720[%dma_start3A_714, %dma_start3A_721] : memref<8x128xi32, #tpu.memory_space<vmem>> -> memref<1x128xi32, #tpu.memory_space<vmem>>
        %dma_start3A_723 = tpu.memref_squeeze %dma_start3A_722 : memref<1x128xi32, #tpu.memory_space<vmem>> -> memref<128xi32, #tpu.memory_space<vmem>>
        %dma_start3A_724 = arith.constant 0 : i32
        %dma_start3A_725 = tpu.memref_slice %arg7[%dma_start3A_724] : memref<524416xf32, #tpu.memory_space<vmem_shared>> -> memref<524416xf32, #tpu.memory_space<vmem_shared>>
        tpu.enqueue_indirect_dma source(%dma_start3A_716 : memref<128xf32, #tpu.memory_space<vmem>>) target(%dma_start3A_725 : memref<524416xf32, #tpu.memory_space<vmem_shared>>) offsets(%dma_start3A_723 : memref<128xi32, #tpu.memory_space<vmem>>) semaphore(%arg20 : memref<!tpu.dma_semaphore, #tpu.memory_space<semaphore_mem>>)
        %dma_wait3A_726 = arith.constant 0 : i32
        %dma_wait3A_727 = arith.constant 0 : i32
        %dma_wait3A_728 = arith.constant 0 : i32
        %dma_wait3A_729 = tpu.memref_slice %arg2[%dma_wait3A_726, %dma_wait3A_727, %dma_wait3A_728] : memref<256x8x128xf32, #tpu.memory_space<hbm>> -> memref<1x8x128xf32, #tpu.memory_space<hbm>>
        %dma_wait3A_730 = tpu.memref_squeeze %dma_wait3A_729 : memref<1x8x128xf32, #tpu.memory_space<hbm>> -> memref<8x128xf32, #tpu.memory_space<hbm>>
        %dma_wait3A_731 = arith.constant 0 : i32
        %dma_wait3A_732 = arith.constant 0 : i32
        %dma_wait3A_733 = tpu.memref_slice %arg2[%dma_wait3A_726, %dma_wait3A_731, %dma_wait3A_732] : memref<256x8x128xf32, #tpu.memory_space<hbm>> -> memref<1x8x128xf32, #tpu.memory_space<hbm>>
        %dma_wait3A_734 = tpu.memref_squeeze %dma_wait3A_733 : memref<1x8x128xf32, #tpu.memory_space<hbm>> -> memref<8x128xf32, #tpu.memory_space<hbm>>
        tpu.wait_dma2 semaphore(%arg20 : memref<!tpu.dma_semaphore, #tpu.memory_space<semaphore_mem>>) src(%dma_wait3A_734 : memref<8x128xf32, #tpu.memory_space<hbm>>) dst(%arg10 : memref<8x128xf32, #tpu.memory_space<vmem>>)
        %barrier3A_735 = arith.constant 0 : index
        tpu.barrier barrier_id(%barrier3A_735)
      } else {
      }
      %mul3A_125 = arith.constant 327680 : i32
      %mul3A_126 = arith.muli %add3A_59, %mul3A_125 : i32
      %mul3A_127 = arith.constant 20480 : i32
      %mul3A_128 = arith.muli %arg1, %mul3A_127 : i32
      %add3A_129 = arith.addi %mul3A_126, %mul3A_128 : i32
      %dma_start3A_130 = arith.constant 0 : i32
      %dma_start3A_131 = arith.constant 0 : i32
      %dma_start3A_132 = tpu.memref_slice %arg11[%dma_start3A_130, %dma_start3A_131] : memref<2x20480xf32, #tpu.memory_space<vmem>> -> memref<1x20480xf32, #tpu.memory_space<vmem>>
      %dma_start3A_133 = tpu.memref_squeeze %dma_start3A_132 : memref<1x20480xf32, #tpu.memory_space<vmem>> -> memref<20480xf32, #tpu.memory_space<vmem>>
      %dma_start3A_134 = tpu.memref_slice %arg4[%add3A_129] : memref<5242880xf32, #tpu.memory_space<hbm>> -> memref<20480xf32, #tpu.memory_space<hbm>>
      %dma_start3A_135 = arith.constant 0 : i32
      %dma_start3A_136 = tpu.memref_slice %arg11[%dma_start3A_130, %dma_start3A_135] : memref<2x20480xf32, #tpu.memory_space<vmem>> -> memref<1x20480xf32, #tpu.memory_space<vmem>>
      %dma_start3A_137 = tpu.memref_squeeze %dma_start3A_136 : memref<1x20480xf32, #tpu.memory_space<vmem>> -> memref<20480xf32, #tpu.memory_space<vmem>>
      %dma_start3A_138 = tpu.memref_slice %arg4[%add3A_129] : memref<5242880xf32, #tpu.memory_space<hbm>> -> memref<20480xf32, #tpu.memory_space<hbm>>
      tpu.enqueue_dma source(%dma_start3A_138 : memref<20480xf32, #tpu.memory_space<hbm>>) target(%dma_start3A_137 : memref<20480xf32, #tpu.memory_space<vmem>>) target_semaphore(%arg15 : memref<!tpu.dma_semaphore, #tpu.memory_space<semaphore_mem>>)
      %dma_wait3A_139 = arith.constant 0 : i32
      %dma_wait3A_140 = arith.constant 0 : i32
      %dma_wait3A_141 = arith.constant 0 : i32
      %dma_wait3A_142 = tpu.memref_slice %arg9[%add3A_72, %dma_wait3A_140, %dma_wait3A_141] : memref<4x8x128xi32, #tpu.memory_space<vmem>> -> memref<1x8x128xi32, #tpu.memory_space<vmem>>
      %dma_wait3A_143 = tpu.memref_squeeze %dma_wait3A_142 : memref<1x8x128xi32, #tpu.memory_space<vmem>> -> memref<8x128xi32, #tpu.memory_space<vmem>>
      %dma_wait3A_144 = arith.constant 0 : i32
      %dma_wait3A_145 = arith.constant 0 : i32
      %dma_wait3A_146 = tpu.memref_slice %arg3[%dma_wait3A_139, %dma_wait3A_144, %dma_wait3A_145] : memref<256x8x128xi32, #tpu.memory_space<hbm>> -> memref<1x8x128xi32, #tpu.memory_space<hbm>>
      %dma_wait3A_147 = tpu.memref_squeeze %dma_wait3A_146 : memref<1x8x128xi32, #tpu.memory_space<hbm>> -> memref<8x128xi32, #tpu.memory_space<hbm>>
      %dma_wait3A_148 = arith.constant 0 : i32
      %dma_wait3A_149 = arith.constant 0 : i32
      %dma_wait3A_150 = tpu.memref_slice %arg9[%add3A_72, %dma_wait3A_148, %dma_wait3A_149] : memref<4x8x128xi32, #tpu.memory_space<vmem>> -> memref<1x8x128xi32, #tpu.memory_space<vmem>>
      %dma_wait3A_151 = tpu.memref_squeeze %dma_wait3A_150 : memref<1x8x128xi32, #tpu.memory_space<vmem>> -> memref<8x128xi32, #tpu.memory_space<vmem>>
      %dma_wait3A_152 = arith.constant 0 : i32
      %dma_wait3A_153 = arith.constant 0 : i32
      %dma_wait3A_154 = tpu.memref_slice %arg3[%dma_wait3A_139, %dma_wait3A_152, %dma_wait3A_153] : memref<256x8x128xi32, #tpu.memory_space<hbm>> -> memref<1x8x128xi32, #tpu.memory_space<hbm>>
      %dma_wait3A_155 = tpu.memref_squeeze %dma_wait3A_154 : memref<1x8x128xi32, #tpu.memory_space<hbm>> -> memref<8x128xi32, #tpu.memory_space<hbm>>
      tpu.wait_dma2 semaphore(%arg19 : memref<!tpu.dma_semaphore, #tpu.memory_space<semaphore_mem>>) src(%dma_wait3A_155 : memref<8x128xi32, #tpu.memory_space<hbm>>) dst(%dma_wait3A_151 : memref<8x128xi32, #tpu.memory_space<vmem>>)
      %dma_wait3A_156 = arith.constant 0 : i32
      %dma_wait3A_157 = arith.constant 0 : i32
      %dma_wait3A_158 = arith.constant 0 : i32
      %dma_wait3A_159 = tpu.memref_slice %arg2[%dma_wait3A_156, %dma_wait3A_157, %dma_wait3A_158] : memref<256x8x128xf32, #tpu.memory_space<hbm>> -> memref<1x8x128xf32, #tpu.memory_space<hbm>>
      %dma_wait3A_160 = tpu.memref_squeeze %dma_wait3A_159 : memref<1x8x128xf32, #tpu.memory_space<hbm>> -> memref<8x128xf32, #tpu.memory_space<hbm>>
      %dma_wait3A_161 = arith.constant 0 : i32
      %dma_wait3A_162 = arith.constant 0 : i32
      %dma_wait3A_163 = tpu.memref_slice %arg2[%dma_wait3A_156, %dma_wait3A_161, %dma_wait3A_162] : memref<256x8x128xf32, #tpu.memory_space<hbm>> -> memref<1x8x128xf32, #tpu.memory_space<hbm>>
      %dma_wait3A_164 = tpu.memref_squeeze %dma_wait3A_163 : memref<1x8x128xf32, #tpu.memory_space<hbm>> -> memref<8x128xf32, #tpu.memory_space<hbm>>
      tpu.wait_dma2 semaphore(%arg19 : memref<!tpu.dma_semaphore, #tpu.memory_space<semaphore_mem>>) src(%dma_wait3A_164 : memref<8x128xf32, #tpu.memory_space<hbm>>) dst(%arg10 : memref<8x128xf32, #tpu.memory_space<vmem>>)
      %dma_start3A_165 = arith.constant 0 : i32
      %dma_start3A_166 = arith.constant 0 : i32
      %dma_start3A_167 = arith.constant 0 : i32
      %dma_start3A_168 = tpu.memref_slice %arg10[%dma_start3A_165, %dma_start3A_167] : memref<8x128xf32, #tpu.memory_space<vmem>> -> memref<1x128xf32, #tpu.memory_space<vmem>>
      %dma_start3A_169 = tpu.memref_squeeze %dma_start3A_168 : memref<1x128xf32, #tpu.memory_space<vmem>> -> memref<128xf32, #tpu.memory_space<vmem>>
      %dma_start3A_170 = arith.constant 0 : i32
      %dma_start3A_171 = arith.constant 0 : i32
      %dma_start3A_172 = tpu.memref_slice %arg9[%add3A_72, %dma_start3A_170, %dma_start3A_171] : memref<4x8x128xi32, #tpu.memory_space<vmem>> -> memref<1x8x128xi32, #tpu.memory_space<vmem>>
      %dma_start3A_173 = tpu.memref_squeeze %dma_start3A_172 : memref<1x8x128xi32, #tpu.memory_space<vmem>> -> memref<8x128xi32, #tpu.memory_space<vmem>>
      %dma_start3A_174 = arith.constant 0 : i32
      %dma_start3A_175 = tpu.memref_slice %dma_start3A_173[%dma_start3A_166, %dma_start3A_174] : memref<8x128xi32, #tpu.memory_space<vmem>> -> memref<1x128xi32, #tpu.memory_space<vmem>>
      %dma_start3A_176 = tpu.memref_squeeze %dma_start3A_175 : memref<1x128xi32, #tpu.memory_space<vmem>> -> memref<128xi32, #tpu.memory_space<vmem>>
      %dma_start3A_177 = arith.constant 0 : i32
      %dma_start3A_178 = tpu.memref_slice %arg7[%dma_start3A_177] : memref<524416xf32, #tpu.memory_space<vmem_shared>> -> memref<524416xf32, #tpu.memory_space<vmem_shared>>
      tpu.enqueue_indirect_dma source(%dma_start3A_169 : memref<128xf32, #tpu.memory_space<vmem>>) target(%dma_start3A_178 : memref<524416xf32, #tpu.memory_space<vmem_shared>>) offsets(%dma_start3A_176 : memref<128xi32, #tpu.memory_space<vmem>>) semaphore(%arg20 : memref<!tpu.dma_semaphore, #tpu.memory_space<semaphore_mem>>)
      %dma_start3A_179 = arith.constant 1 : i32
      %dma_start3A_180 = arith.constant 1 : i32
      %dma_start3A_181 = arith.constant 0 : i32
      %dma_start3A_182 = tpu.memref_slice %arg10[%dma_start3A_179, %dma_start3A_181] : memref<8x128xf32, #tpu.memory_space<vmem>> -> memref<1x128xf32, #tpu.memory_space<vmem>>
      %dma_start3A_183 = tpu.memref_squeeze %dma_start3A_182 : memref<1x128xf32, #tpu.memory_space<vmem>> -> memref<128xf32, #tpu.memory_space<vmem>>
      %dma_start3A_184 = arith.constant 0 : i32
      %dma_start3A_185 = arith.constant 0 : i32
      %dma_start3A_186 = tpu.memref_slice %arg9[%add3A_72, %dma_start3A_184, %dma_start3A_185] : memref<4x8x128xi32, #tpu.memory_space<vmem>> -> memref<1x8x128xi32, #tpu.memory_space<vmem>>
      %dma_start3A_187 = tpu.memref_squeeze %dma_start3A_186 : memref<1x8x128xi32, #tpu.memory_space<vmem>> -> memref<8x128xi32, #tpu.memory_space<vmem>>
      %dma_start3A_188 = arith.constant 0 : i32
      %dma_start3A_189 = tpu.memref_slice %dma_start3A_187[%dma_start3A_180, %dma_start3A_188] : memref<8x128xi32, #tpu.memory_space<vmem>> -> memref<1x128xi32, #tpu.memory_space<vmem>>
      %dma_start3A_190 = tpu.memref_squeeze %dma_start3A_189 : memref<1x128xi32, #tpu.memory_space<vmem>> -> memref<128xi32, #tpu.memory_space<vmem>>
      %dma_start3A_191 = arith.constant 0 : i32
      %dma_start3A_192 = tpu.memref_slice %arg7[%dma_start3A_191] : memref<524416xf32, #tpu.memory_space<vmem_shared>> -> memref<524416xf32, #tpu.memory_space<vmem_shared>>
      tpu.enqueue_indirect_dma source(%dma_start3A_183 : memref<128xf32, #tpu.memory_space<vmem>>) target(%dma_start3A_192 : memref<524416xf32, #tpu.memory_space<vmem_shared>>) offsets(%dma_start3A_190 : memref<128xi32, #tpu.memory_space<vmem>>) semaphore(%arg20 : memref<!tpu.dma_semaphore, #tpu.memory_space<semaphore_mem>>)
      %dma_start3A_193 = arith.constant 2 : i32
      %dma_start3A_194 = arith.constant 2 : i32
      %dma_start3A_195 = arith.constant 0 : i32
      %dma_start3A_196 = tpu.memref_slice %arg10[%dma_start3A_193, %dma_start3A_195] : memref<8x128xf32, #tpu.memory_space<vmem>> -> memref<1x128xf32, #tpu.memory_space<vmem>>
      %dma_start3A_197 = tpu.memref_squeeze %dma_start3A_196 : memref<1x128xf32, #tpu.memory_space<vmem>> -> memref<128xf32, #tpu.memory_space<vmem>>
      %dma_start3A_198 = arith.constant 0 : i32
      %dma_start3A_199 = arith.constant 0 : i32
      %dma_start3A_200 = tpu.memref_slice %arg9[%add3A_72, %dma_start3A_198, %dma_start3A_199] : memref<4x8x128xi32, #tpu.memory_space<vmem>> -> memref<1x8x128xi32, #tpu.memory_space<vmem>>
      %dma_start3A_201 = tpu.memref_squeeze %dma_start3A_200 : memref<1x8x128xi32, #tpu.memory_space<vmem>> -> memref<8x128xi32, #tpu.memory_space<vmem>>
      %dma_start3A_202 = arith.constant 0 : i32
      %dma_start3A_203 = tpu.memref_slice %dma_start3A_201[%dma_start3A_194, %dma_start3A_202] : memref<8x128xi32, #tpu.memory_space<vmem>> -> memref<1x128xi32, #tpu.memory_space<vmem>>
      %dma_start3A_204 = tpu.memref_squeeze %dma_start3A_203 : memref<1x128xi32, #tpu.memory_space<vmem>> -> memref<128xi32, #tpu.memory_space<vmem>>
      %dma_start3A_205 = arith.constant 0 : i32
      %dma_start3A_206 = tpu.memref_slice %arg7[%dma_start3A_205] : memref<524416xf32, #tpu.memory_space<vmem_shared>> -> memref<524416xf32, #tpu.memory_space<vmem_shared>>
      tpu.enqueue_indirect_dma source(%dma_start3A_197 : memref<128xf32, #tpu.memory_space<vmem>>) target(%dma_start3A_206 : memref<524416xf32, #tpu.memory_space<vmem_shared>>) offsets(%dma_start3A_204 : memref<128xi32, #tpu.memory_space<vmem>>) semaphore(%arg20 : memref<!tpu.dma_semaphore, #tpu.memory_space<semaphore_mem>>)
      %dma_start3A_207 = arith.constant 3 : i32
      %dma_start3A_208 = arith.constant 3 : i32
      %dma_start3A_209 = arith.constant 0 : i32
      %dma_start3A_210 = tpu.memref_slice %arg10[%dma_start3A_207, %dma_start3A_209] : memref<8x128xf32, #tpu.memory_space<vmem>> -> memref<1x128xf32, #tpu.memory_space<vmem>>
      %dma_start3A_211 = tpu.memref_squeeze %dma_start3A_210 : memref<1x128xf32, #tpu.memory_space<vmem>> -> memref<128xf32, #tpu.memory_space<vmem>>
      %dma_start3A_212 = arith.constant 0 : i32
      %dma_start3A_213 = arith.constant 0 : i32
      %dma_start3A_214 = tpu.memref_slice %arg9[%add3A_72, %dma_start3A_212, %dma_start3A_213] : memref<4x8x128xi32, #tpu.memory_space<vmem>> -> memref<1x8x128xi32, #tpu.memory_space<vmem>>
      %dma_start3A_215 = tpu.memref_squeeze %dma_start3A_214 : memref<1x8x128xi32, #tpu.memory_space<vmem>> -> memref<8x128xi32, #tpu.memory_space<vmem>>
      %dma_start3A_216 = arith.constant 0 : i32
      %dma_start3A_217 = tpu.memref_slice %dma_start3A_215[%dma_start3A_208, %dma_start3A_216] : memref<8x128xi32, #tpu.memory_space<vmem>> -> memref<1x128xi32, #tpu.memory_space<vmem>>
      %dma_start3A_218 = tpu.memref_squeeze %dma_start3A_217 : memref<1x128xi32, #tpu.memory_space<vmem>> -> memref<128xi32, #tpu.memory_space<vmem>>
      %dma_start3A_219 = arith.constant 0 : i32
      %dma_start3A_220 = tpu.memref_slice %arg7[%dma_start3A_219] : memref<524416xf32, #tpu.memory_space<vmem_shared>> -> memref<524416xf32, #tpu.memory_space<vmem_shared>>
      tpu.enqueue_indirect_dma source(%dma_start3A_211 : memref<128xf32, #tpu.memory_space<vmem>>) target(%dma_start3A_220 : memref<524416xf32, #tpu.memory_space<vmem_shared>>) offsets(%dma_start3A_218 : memref<128xi32, #tpu.memory_space<vmem>>) semaphore(%arg20 : memref<!tpu.dma_semaphore, #tpu.memory_space<semaphore_mem>>)
      %dma_start3A_221 = arith.constant 4 : i32
      %dma_start3A_222 = arith.constant 4 : i32
      %dma_start3A_223 = arith.constant 0 : i32
      %dma_start3A_224 = tpu.memref_slice %arg10[%dma_start3A_221, %dma_start3A_223] : memref<8x128xf32, #tpu.memory_space<vmem>> -> memref<1x128xf32, #tpu.memory_space<vmem>>
      %dma_start3A_225 = tpu.memref_squeeze %dma_start3A_224 : memref<1x128xf32, #tpu.memory_space<vmem>> -> memref<128xf32, #tpu.memory_space<vmem>>
      %dma_start3A_226 = arith.constant 0 : i32
      %dma_start3A_227 = arith.constant 0 : i32
      %dma_start3A_228 = tpu.memref_slice %arg9[%add3A_72, %dma_start3A_226, %dma_start3A_227] : memref<4x8x128xi32, #tpu.memory_space<vmem>> -> memref<1x8x128xi32, #tpu.memory_space<vmem>>
      %dma_start3A_229 = tpu.memref_squeeze %dma_start3A_228 : memref<1x8x128xi32, #tpu.memory_space<vmem>> -> memref<8x128xi32, #tpu.memory_space<vmem>>
      %dma_start3A_230 = arith.constant 0 : i32
      %dma_start3A_231 = tpu.memref_slice %dma_start3A_229[%dma_start3A_222, %dma_start3A_230] : memref<8x128xi32, #tpu.memory_space<vmem>> -> memref<1x128xi32, #tpu.memory_space<vmem>>
      %dma_start3A_232 = tpu.memref_squeeze %dma_start3A_231 : memref<1x128xi32, #tpu.memory_space<vmem>> -> memref<128xi32, #tpu.memory_space<vmem>>
      %dma_start3A_233 = arith.constant 0 : i32
      %dma_start3A_234 = tpu.memref_slice %arg7[%dma_start3A_233] : memref<524416xf32, #tpu.memory_space<vmem_shared>> -> memref<524416xf32, #tpu.memory_space<vmem_shared>>
      tpu.enqueue_indirect_dma source(%dma_start3A_225 : memref<128xf32, #tpu.memory_space<vmem>>) target(%dma_start3A_234 : memref<524416xf32, #tpu.memory_space<vmem_shared>>) offsets(%dma_start3A_232 : memref<128xi32, #tpu.memory_space<vmem>>) semaphore(%arg20 : memref<!tpu.dma_semaphore, #tpu.memory_space<semaphore_mem>>)
      %dma_start3A_235 = arith.constant 5 : i32
      %dma_start3A_236 = arith.constant 5 : i32
      %dma_start3A_237 = arith.constant 0 : i32
      %dma_start3A_238 = tpu.memref_slice %arg10[%dma_start3A_235, %dma_start3A_237] : memref<8x128xf32, #tpu.memory_space<vmem>> -> memref<1x128xf32, #tpu.memory_space<vmem>>
      %dma_start3A_239 = tpu.memref_squeeze %dma_start3A_238 : memref<1x128xf32, #tpu.memory_space<vmem>> -> memref<128xf32, #tpu.memory_space<vmem>>
      %dma_start3A_240 = arith.constant 0 : i32
      %dma_start3A_241 = arith.constant 0 : i32
      %dma_start3A_242 = tpu.memref_slice %arg9[%add3A_72, %dma_start3A_240, %dma_start3A_241] : memref<4x8x128xi32, #tpu.memory_space<vmem>> -> memref<1x8x128xi32, #tpu.memory_space<vmem>>
      %dma_start3A_243 = tpu.memref_squeeze %dma_start3A_242 : memref<1x8x128xi32, #tpu.memory_space<vmem>> -> memref<8x128xi32, #tpu.memory_space<vmem>>
      %dma_start3A_244 = arith.constant 0 : i32
      %dma_start3A_245 = tpu.memref_slice %dma_start3A_243[%dma_start3A_236, %dma_start3A_244] : memref<8x128xi32, #tpu.memory_space<vmem>> -> memref<1x128xi32, #tpu.memory_space<vmem>>
      %dma_start3A_246 = tpu.memref_squeeze %dma_start3A_245 : memref<1x128xi32, #tpu.memory_space<vmem>> -> memref<128xi32, #tpu.memory_space<vmem>>
      %dma_start3A_247 = arith.constant 0 : i32
      %dma_start3A_248 = tpu.memref_slice %arg7[%dma_start3A_247] : memref<524416xf32, #tpu.memory_space<vmem_shared>> -> memref<524416xf32, #tpu.memory_space<vmem_shared>>
      tpu.enqueue_indirect_dma source(%dma_start3A_239 : memref<128xf32, #tpu.memory_space<vmem>>) target(%dma_start3A_248 : memref<524416xf32, #tpu.memory_space<vmem_shared>>) offsets(%dma_start3A_246 : memref<128xi32, #tpu.memory_space<vmem>>) semaphore(%arg20 : memref<!tpu.dma_semaphore, #tpu.memory_space<semaphore_mem>>)
      %dma_start3A_249 = arith.constant 6 : i32
      %dma_start3A_250 = arith.constant 6 : i32
      %dma_start3A_251 = arith.constant 0 : i32
      %dma_start3A_252 = tpu.memref_slice %arg10[%dma_start3A_249, %dma_start3A_251] : memref<8x128xf32, #tpu.memory_space<vmem>> -> memref<1x128xf32, #tpu.memory_space<vmem>>
      %dma_start3A_253 = tpu.memref_squeeze %dma_start3A_252 : memref<1x128xf32, #tpu.memory_space<vmem>> -> memref<128xf32, #tpu.memory_space<vmem>>
      %dma_start3A_254 = arith.constant 0 : i32
      %dma_start3A_255 = arith.constant 0 : i32
      %dma_start3A_256 = tpu.memref_slice %arg9[%add3A_72, %dma_start3A_254, %dma_start3A_255] : memref<4x8x128xi32, #tpu.memory_space<vmem>> -> memref<1x8x128xi32, #tpu.memory_space<vmem>>
      %dma_start3A_257 = tpu.memref_squeeze %dma_start3A_256 : memref<1x8x128xi32, #tpu.memory_space<vmem>> -> memref<8x128xi32, #tpu.memory_space<vmem>>
      %dma_start3A_258 = arith.constant 0 : i32
      %dma_start3A_259 = tpu.memref_slice %dma_start3A_257[%dma_start3A_250, %dma_start3A_258] : memref<8x128xi32, #tpu.memory_space<vmem>> -> memref<1x128xi32, #tpu.memory_space<vmem>>
      %dma_start3A_260 = tpu.memref_squeeze %dma_start3A_259 : memref<1x128xi32, #tpu.memory_space<vmem>> -> memref<128xi32, #tpu.memory_space<vmem>>
      %dma_start3A_261 = arith.constant 0 : i32
      %dma_start3A_262 = tpu.memref_slice %arg7[%dma_start3A_261] : memref<524416xf32, #tpu.memory_space<vmem_shared>> -> memref<524416xf32, #tpu.memory_space<vmem_shared>>
      tpu.enqueue_indirect_dma source(%dma_start3A_253 : memref<128xf32, #tpu.memory_space<vmem>>) target(%dma_start3A_262 : memref<524416xf32, #tpu.memory_space<vmem_shared>>) offsets(%dma_start3A_260 : memref<128xi32, #tpu.memory_space<vmem>>) semaphore(%arg20 : memref<!tpu.dma_semaphore, #tpu.memory_space<semaphore_mem>>)
      %dma_start3A_263 = arith.constant 7 : i32
      %dma_start3A_264 = arith.constant 7 : i32
      %dma_start3A_265 = arith.constant 0 : i32
      %dma_start3A_266 = tpu.memref_slice %arg10[%dma_start3A_263, %dma_start3A_265] : memref<8x128xf32, #tpu.memory_space<vmem>> -> memref<1x128xf32, #tpu.memory_space<vmem>>
      %dma_start3A_267 = tpu.memref_squeeze %dma_start3A_266 : memref<1x128xf32, #tpu.memory_space<vmem>> -> memref<128xf32, #tpu.memory_space<vmem>>
      %dma_start3A_268 = arith.constant 0 : i32
      %dma_start3A_269 = arith.constant 0 : i32
      %dma_start3A_270 = tpu.memref_slice %arg9[%add3A_72, %dma_start3A_268, %dma_start3A_269] : memref<4x8x128xi32, #tpu.memory_space<vmem>> -> memref<1x8x128xi32, #tpu.memory_space<vmem>>
      %dma_start3A_271 = tpu.memref_squeeze %dma_start3A_270 : memref<1x8x128xi32, #tpu.memory_space<vmem>> -> memref<8x128xi32, #tpu.memory_space<vmem>>
      %dma_start3A_272 = arith.constant 0 : i32
      %dma_start3A_273 = tpu.memref_slice %dma_start3A_271[%dma_start3A_264, %dma_start3A_272] : memref<8x128xi32, #tpu.memory_space<vmem>> -> memref<1x128xi32, #tpu.memory_space<vmem>>
      %dma_start3A_274 = tpu.memref_squeeze %dma_start3A_273 : memref<1x128xi32, #tpu.memory_space<vmem>> -> memref<128xi32, #tpu.memory_space<vmem>>
      %dma_start3A_275 = arith.constant 0 : i32
      %dma_start3A_276 = tpu.memref_slice %arg7[%dma_start3A_275] : memref<524416xf32, #tpu.memory_space<vmem_shared>> -> memref<524416xf32, #tpu.memory_space<vmem_shared>>
      tpu.enqueue_indirect_dma source(%dma_start3A_267 : memref<128xf32, #tpu.memory_space<vmem>>) target(%dma_start3A_276 : memref<524416xf32, #tpu.memory_space<vmem_shared>>) offsets(%dma_start3A_274 : memref<128xi32, #tpu.memory_space<vmem>>) semaphore(%arg20 : memref<!tpu.dma_semaphore, #tpu.memory_space<semaphore_mem>>)
      %dma_wait3A_277 = arith.constant 0 : i32
      %dma_wait3A_278 = arith.constant 0 : i32
      %dma_wait3A_279 = arith.constant 0 : i32
      %dma_wait3A_280 = tpu.memref_slice %arg2[%dma_wait3A_277, %dma_wait3A_278, %dma_wait3A_279] : memref<256x8x128xf32, #tpu.memory_space<hbm>> -> memref<1x8x128xf32, #tpu.memory_space<hbm>>
      %dma_wait3A_281 = tpu.memref_squeeze %dma_wait3A_280 : memref<1x8x128xf32, #tpu.memory_space<hbm>> -> memref<8x128xf32, #tpu.memory_space<hbm>>
      %dma_wait3A_282 = arith.constant 0 : i32
      %dma_wait3A_283 = arith.constant 0 : i32
      %dma_wait3A_284 = tpu.memref_slice %arg2[%dma_wait3A_277, %dma_wait3A_282, %dma_wait3A_283] : memref<256x8x128xf32, #tpu.memory_space<hbm>> -> memref<1x8x128xf32, #tpu.memory_space<hbm>>
      %dma_wait3A_285 = tpu.memref_squeeze %dma_wait3A_284 : memref<1x8x128xf32, #tpu.memory_space<hbm>> -> memref<8x128xf32, #tpu.memory_space<hbm>>
      tpu.wait_dma2 semaphore(%arg20 : memref<!tpu.dma_semaphore, #tpu.memory_space<semaphore_mem>>) src(%dma_wait3A_285 : memref<8x128xf32, #tpu.memory_space<hbm>>) dst(%arg10 : memref<8x128xf32, #tpu.memory_space<vmem>>)
      %barrier3A_286 = arith.constant 0 : index
      tpu.barrier barrier_id(%barrier3A_286)
      %mul3A_287 = arith.constant 32768 : i32
      %mul3A_288 = arith.muli %arg1, %mul3A_287 : i32
      %mul3A_289 = arith.constant 52 : i32
      %mul3A_290 = arith.muli %add3A_59, %mul3A_289 : i32
      %add3A_291 = arith.constant 20 : i32
      %add3A_292 = arith.addi %mul3A_290, %add3A_291 : i32
      %mul3A_293 = arith.constant 16384 : i32
      %mul3A_294 = arith.muli %add3A_292, %mul3A_293 : i32
      %mul3A_295 = arith.constant 32768 : i32
      %mul3A_296 = arith.muli %arg1, %mul3A_295 : i32
      %add3A_297 = arith.addi %mul3A_294, %mul3A_296 : i32
      %dma_start3A_298 = tpu.memref_slice %arg5[%add3A_297] : memref<13631488xf32, #tpu.memory_space<hbm>> -> memref<32768xf32, #tpu.memory_space<hbm>>
      %dma_start3A_299 = tpu.memref_slice %arg7[%mul3A_288] : memref<524416xf32, #tpu.memory_space<vmem_shared>> -> memref<32768xf32, #tpu.memory_space<vmem_shared>>
      tpu.enqueue_dma source(%dma_start3A_299 : memref<32768xf32, #tpu.memory_space<vmem_shared>>) target(%dma_start3A_298 : memref<32768xf32, #tpu.memory_space<hbm>>) target_semaphore(%arg13 : memref<!tpu.dma_semaphore, #tpu.memory_space<semaphore_mem>>)
      %dma_wait3A_300 = arith.constant 0 : i32
      %dma_wait3A_301 = arith.constant 0 : i32
      %dma_wait3A_302 = tpu.memref_slice %arg11[%dma_wait3A_300, %dma_wait3A_301] : memref<2x20480xf32, #tpu.memory_space<vmem>> -> memref<1x20480xf32, #tpu.memory_space<vmem>>
      %dma_wait3A_303 = tpu.memref_squeeze %dma_wait3A_302 : memref<1x20480xf32, #tpu.memory_space<vmem>> -> memref<20480xf32, #tpu.memory_space<vmem>>
      %dma_wait3A_304 = arith.constant 0 : i32
      %dma_wait3A_305 = tpu.memref_slice %arg4[%dma_wait3A_304] : memref<5242880xf32, #tpu.memory_space<hbm>> -> memref<20480xf32, #tpu.memory_space<hbm>>
      %dma_wait3A_306 = arith.constant 0 : i32
      %dma_wait3A_307 = tpu.memref_slice %arg11[%dma_wait3A_300, %dma_wait3A_306] : memref<2x20480xf32, #tpu.memory_space<vmem>> -> memref<1x20480xf32, #tpu.memory_space<vmem>>
      %dma_wait3A_308 = tpu.memref_squeeze %dma_wait3A_307 : memref<1x20480xf32, #tpu.memory_space<vmem>> -> memref<20480xf32, #tpu.memory_space<vmem>>
      %dma_wait3A_309 = arith.constant 0 : i32
      %dma_wait3A_310 = tpu.memref_slice %arg4[%dma_wait3A_309] : memref<5242880xf32, #tpu.memory_space<hbm>> -> memref<20480xf32, #tpu.memory_space<hbm>>
      tpu.wait_dma2 semaphore(%arg15 : memref<!tpu.dma_semaphore, #tpu.memory_space<semaphore_mem>>) src(%dma_wait3A_310 : memref<20480xf32, #tpu.memory_space<hbm>>) dst(%dma_wait3A_308 : memref<20480xf32, #tpu.memory_space<vmem>>)
      %mul3A_311 = arith.constant 52 : i32
      %mul3A_312 = arith.muli %add3A_59, %mul3A_311 : i32
      %mul3A_313 = arith.constant 16384 : i32
      %mul3A_314 = arith.muli %mul3A_312, %mul3A_313 : i32
      %mul3A_315 = arith.constant 20480 : i32
      %mul3A_316 = arith.muli %arg1, %mul3A_315 : i32
      %add3A_317 = arith.addi %mul3A_314, %mul3A_316 : i32
      %dma_start3A_318 = arith.constant 0 : i32
      %dma_start3A_319 = arith.constant 0 : i32
      %dma_start3A_320 = tpu.memref_slice %arg11[%dma_start3A_318, %dma_start3A_319] : memref<2x20480xf32, #tpu.memory_space<vmem>> -> memref<1x20480xf32, #tpu.memory_space<vmem>>
      %dma_start3A_321 = tpu.memref_squeeze %dma_start3A_320 : memref<1x20480xf32, #tpu.memory_space<vmem>> -> memref<20480xf32, #tpu.memory_space<vmem>>
      %dma_start3A_322 = tpu.memref_slice %arg5[%add3A_317] : memref<13631488xf32, #tpu.memory_space<hbm>> -> memref<20480xf32, #tpu.memory_space<hbm>>
      %dma_start3A_323 = tpu.memref_slice %arg5[%add3A_317] : memref<13631488xf32, #tpu.memory_space<hbm>> -> memref<20480xf32, #tpu.memory_space<hbm>>
      %dma_start3A_324 = arith.constant 0 : i32
      %dma_start3A_325 = tpu.memref_slice %arg11[%dma_start3A_318, %dma_start3A_324] : memref<2x20480xf32, #tpu.memory_space<vmem>> -> memref<1x20480xf32, #tpu.memory_space<vmem>>
      %dma_start3A_326 = tpu.memref_squeeze %dma_start3A_325 : memref<1x20480xf32, #tpu.memory_space<vmem>> -> memref<20480xf32, #tpu.memory_space<vmem>>
      tpu.enqueue_dma source(%dma_start3A_326 : memref<20480xf32, #tpu.memory_space<vmem>>) target(%dma_start3A_323 : memref<20480xf32, #tpu.memory_space<hbm>>) target_semaphore(%arg17 : memref<!tpu.dma_semaphore, #tpu.memory_space<semaphore_mem>>)
      %mul3A_327 = arith.constant 8 : i32
      %mul3A_328 = arith.muli %arg0, %mul3A_327 : i32
      %mul3A_329 = arith.constant 2 : i32
      %mul3A_330 = arith.muli %add3A_52, %mul3A_329 : i32
      %add3A_331 = arith.addi %mul3A_328, %mul3A_330 : i32
      %add3A_332 = arith.constant 1 : i32
      %add3A_333 = arith.addi %add3A_331, %add3A_332 : i32
      %jit3A_334 = arith.constant 2 : i32
      %eq3A_335 = arith.constant 0 : i32
      %eq3A_336 = arith.cmpi eq, %jit3A_334, %eq3A_335 : i32
      %jit3A_337 = arith.constant 1 : i32
      %select_n3A_338 = arith.select %eq3A_336, %jit3A_337, %jit3A_334 : i32
      %rem3A_339 = arith.remsi %add3A_52, %select_n3A_338 : i32
      %ne3A_340 = arith.constant 0 : i32
      %ne3A_341 = arith.cmpi ne, %rem3A_339, %ne3A_340 : i32
      %lt3A_342 = arith.constant 0 : i32
      %lt3A_343 = arith.cmpi slt, %rem3A_339, %lt3A_342 : i32
      %lt3A_344 = arith.constant 0 : i32
      %lt3A_345 = arith.cmpi slt, %select_n3A_338, %lt3A_344 : i32
      %ne3A_346 = arith.xori %lt3A_343, %lt3A_345 : i1
      %and3A_347 = arith.andi %ne3A_346, %ne3A_341 : i1
      %add3A_348 = arith.addi %rem3A_339, %select_n3A_338 : i32
      %select_n3A_349 = arith.select %and3A_347, %add3A_348, %rem3A_339 : i32
      %mul3A_350 = arith.constant 2 : i32
      %mul3A_351 = arith.muli %select_n3A_349, %mul3A_350 : i32
      %add3A_352 = arith.constant 1 : i32
      %add3A_353 = arith.addi %mul3A_351, %add3A_352 : i32
      %jit3A_354 = arith.constant 2 : i32
      %eq3A_355 = arith.constant 0 : i32
      %eq3A_356 = arith.cmpi eq, %jit3A_354, %eq3A_355 : i32
      %jit3A_357 = arith.constant 1 : i32
      %select_n3A_358 = arith.select %eq3A_356, %jit3A_357, %jit3A_354 : i32
      %rem3A_359 = arith.remsi %add3A_52, %select_n3A_358 : i32
      %ne3A_360 = arith.constant 0 : i32
      %ne3A_361 = arith.cmpi ne, %rem3A_359, %ne3A_360 : i32
      %lt3A_362 = arith.constant 0 : i32
      %lt3A_363 = arith.cmpi slt, %rem3A_359, %lt3A_362 : i32
      %lt3A_364 = arith.constant 0 : i32
      %lt3A_365 = arith.cmpi slt, %select_n3A_358, %lt3A_364 : i32
      %ne3A_366 = arith.xori %lt3A_363, %lt3A_365 : i1
      %and3A_367 = arith.andi %ne3A_366, %ne3A_361 : i1
      %add3A_368 = arith.addi %rem3A_359, %select_n3A_358 : i32
      %select_n3A_369 = arith.select %and3A_367, %add3A_368, %rem3A_359 : i32
      %sub3A_370 = arith.constant 1 : i32
      %sub3A_371 = arith.subi %sub3A_370, %select_n3A_369 : i32
      %mul3A_372 = arith.constant 2 : i32
      %mul3A_373 = arith.muli %sub3A_371, %mul3A_372 : i32
      %add3A_374 = arith.constant 1 : i32
      %add3A_375 = arith.addi %mul3A_373, %add3A_374 : i32
      %mul3A_376 = arith.constant 16 : i32
      %mul3A_377 = arith.muli %add3A_333, %mul3A_376 : i32
      %add3A_378 = arith.addi %mul3A_377, %arg1 : i32
      %dma_start3A_379 = arith.constant 0 : i32
      %dma_start3A_380 = arith.constant 0 : i32
      %dma_start3A_381 = tpu.memref_slice %arg9[%add3A_353, %dma_start3A_379, %dma_start3A_380] : memref<4x8x128xi32, #tpu.memory_space<vmem>> -> memref<1x8x128xi32, #tpu.memory_space<vmem>>
      %dma_start3A_382 = tpu.memref_squeeze %dma_start3A_381 : memref<1x8x128xi32, #tpu.memory_space<vmem>> -> memref<8x128xi32, #tpu.memory_space<vmem>>
      %dma_start3A_383 = arith.constant 0 : i32
      %dma_start3A_384 = arith.constant 0 : i32
      %dma_start3A_385 = tpu.memref_slice %arg3[%add3A_378, %dma_start3A_383, %dma_start3A_384] : memref<256x8x128xi32, #tpu.memory_space<hbm>> -> memref<1x8x128xi32, #tpu.memory_space<hbm>>
      %dma_start3A_386 = tpu.memref_squeeze %dma_start3A_385 : memref<1x8x128xi32, #tpu.memory_space<hbm>> -> memref<8x128xi32, #tpu.memory_space<hbm>>
      %dma_start3A_387 = arith.constant 0 : i32
      %dma_start3A_388 = arith.constant 0 : i32
      %dma_start3A_389 = tpu.memref_slice %arg9[%add3A_353, %dma_start3A_387, %dma_start3A_388] : memref<4x8x128xi32, #tpu.memory_space<vmem>> -> memref<1x8x128xi32, #tpu.memory_space<vmem>>
      %dma_start3A_390 = tpu.memref_squeeze %dma_start3A_389 : memref<1x8x128xi32, #tpu.memory_space<vmem>> -> memref<8x128xi32, #tpu.memory_space<vmem>>
      %dma_start3A_391 = arith.constant 0 : i32
      %dma_start3A_392 = arith.constant 0 : i32
      %dma_start3A_393 = tpu.memref_slice %arg3[%add3A_378, %dma_start3A_391, %dma_start3A_392] : memref<256x8x128xi32, #tpu.memory_space<hbm>> -> memref<1x8x128xi32, #tpu.memory_space<hbm>>
      %dma_start3A_394 = tpu.memref_squeeze %dma_start3A_393 : memref<1x8x128xi32, #tpu.memory_space<hbm>> -> memref<8x128xi32, #tpu.memory_space<hbm>>
      tpu.enqueue_dma source(%dma_start3A_394 : memref<8x128xi32, #tpu.memory_space<hbm>>) target(%dma_start3A_390 : memref<8x128xi32, #tpu.memory_space<vmem>>) target_semaphore(%arg19 : memref<!tpu.dma_semaphore, #tpu.memory_space<semaphore_mem>>)
      %mul3A_395 = arith.constant 16 : i32
      %mul3A_396 = arith.muli %add3A_333, %mul3A_395 : i32
      %add3A_397 = arith.addi %mul3A_396, %arg1 : i32
      %dma_start3A_398 = arith.constant 0 : i32
      %dma_start3A_399 = arith.constant 0 : i32
      %dma_start3A_400 = tpu.memref_slice %arg2[%add3A_397, %dma_start3A_398, %dma_start3A_399] : memref<256x8x128xf32, #tpu.memory_space<hbm>> -> memref<1x8x128xf32, #tpu.memory_space<hbm>>
      %dma_start3A_401 = tpu.memref_squeeze %dma_start3A_400 : memref<1x8x128xf32, #tpu.memory_space<hbm>> -> memref<8x128xf32, #tpu.memory_space<hbm>>
      %dma_start3A_402 = arith.constant 0 : i32
      %dma_start3A_403 = arith.constant 0 : i32
      %dma_start3A_404 = tpu.memref_slice %arg2[%add3A_397, %dma_start3A_402, %dma_start3A_403] : memref<256x8x128xf32, #tpu.memory_space<hbm>> -> memref<1x8x128xf32, #tpu.memory_space<hbm>>
      %dma_start3A_405 = tpu.memref_squeeze %dma_start3A_404 : memref<1x8x128xf32, #tpu.memory_space<hbm>> -> memref<8x128xf32, #tpu.memory_space<hbm>>
      tpu.enqueue_dma source(%dma_start3A_405 : memref<8x128xf32, #tpu.memory_space<hbm>>) target(%arg10 : memref<8x128xf32, #tpu.memory_space<vmem>>) target_semaphore(%arg19 : memref<!tpu.dma_semaphore, #tpu.memory_space<semaphore_mem>>)
      %gt3A_406 = arith.constant 0 : i32
      %gt3A_407 = arith.cmpi sgt, %add3A_52, %gt3A_406 : i32
      %convert_element_type3A_408 = arith.extui %gt3A_407 : i1 to i32
      %cond3A_409 = arith.constant 0 : i32
      %cond3A_410 = arith.cmpi ne, %convert_element_type3A_408, %cond3A_409 : i32
      scf.if %cond3A_410 {
        %dma_wait3A_613 = arith.constant 1 : i32
        %dma_wait3A_614 = arith.constant 0 : i32
        %dma_wait3A_615 = tpu.memref_slice %arg11[%dma_wait3A_613, %dma_wait3A_614] : memref<2x20480xf32, #tpu.memory_space<vmem>> -> memref<1x20480xf32, #tpu.memory_space<vmem>>
        %dma_wait3A_616 = tpu.memref_squeeze %dma_wait3A_615 : memref<1x20480xf32, #tpu.memory_space<vmem>> -> memref<20480xf32, #tpu.memory_space<vmem>>
        %dma_wait3A_617 = arith.constant 0 : i32
        %dma_wait3A_618 = tpu.memref_slice %arg4[%dma_wait3A_617] : memref<5242880xf32, #tpu.memory_space<hbm>> -> memref<20480xf32, #tpu.memory_space<hbm>>
        %dma_wait3A_619 = arith.constant 0 : i32
        %dma_wait3A_620 = tpu.memref_slice %arg11[%dma_wait3A_613, %dma_wait3A_619] : memref<2x20480xf32, #tpu.memory_space<vmem>> -> memref<1x20480xf32, #tpu.memory_space<vmem>>
        %dma_wait3A_621 = tpu.memref_squeeze %dma_wait3A_620 : memref<1x20480xf32, #tpu.memory_space<vmem>> -> memref<20480xf32, #tpu.memory_space<vmem>>
        %dma_wait3A_622 = arith.constant 0 : i32
        %dma_wait3A_623 = tpu.memref_slice %arg4[%dma_wait3A_622] : memref<5242880xf32, #tpu.memory_space<hbm>> -> memref<20480xf32, #tpu.memory_space<hbm>>
        tpu.wait_dma2 semaphore(%arg18 : memref<!tpu.dma_semaphore, #tpu.memory_space<semaphore_mem>>) src(%dma_wait3A_623 : memref<20480xf32, #tpu.memory_space<hbm>>) dst(%dma_wait3A_621 : memref<20480xf32, #tpu.memory_space<vmem>>)
        %mul3A_624 = arith.constant 32768 : i32
        %mul3A_625 = arith.muli %arg1, %mul3A_624 : i32
        %dma_wait3A_626 = tpu.memref_slice %arg8[%mul3A_625] : memref<524416xf32, #tpu.memory_space<vmem_shared>> -> memref<32768xf32, #tpu.memory_space<vmem_shared>>
        %dma_wait3A_627 = arith.constant 0 : i32
        %dma_wait3A_628 = tpu.memref_slice %arg5[%dma_wait3A_627] : memref<13631488xf32, #tpu.memory_space<hbm>> -> memref<32768xf32, #tpu.memory_space<hbm>>
        tpu.wait_dma2 semaphore(%arg14 : memref<!tpu.dma_semaphore, #tpu.memory_space<semaphore_mem>>) src(%dma_wait3A_628 : memref<32768xf32, #tpu.memory_space<hbm>>) dst(%dma_wait3A_626 : memref<32768xf32, #tpu.memory_space<vmem_shared>>)
        %barrier3A_629 = arith.constant 0 : index
        tpu.barrier barrier_id(%barrier3A_629)
        %dma_start3A_630 = arith.constant 0 : i32
        %dma_start3A_631 = arith.constant 0 : i32
        %dma_start3A_632 = tpu.memref_slice %arg12[%dma_start3A_631] : memref<2048xf32, #tpu.memory_space<vmem>> -> memref<128xf32, #tpu.memory_space<vmem>>
        %dma_start3A_633 = arith.constant 0 : i32
        %dma_start3A_634 = arith.constant 0 : i32
        %dma_start3A_635 = tpu.memref_slice %arg9[%add3A_375, %dma_start3A_633, %dma_start3A_634] : memref<4x8x128xi32, #tpu.memory_space<vmem>> -> memref<1x8x128xi32, #tpu.memory_space<vmem>>
        %dma_start3A_636 = tpu.memref_squeeze %dma_start3A_635 : memref<1x8x128xi32, #tpu.memory_space<vmem>> -> memref<8x128xi32, #tpu.memory_space<vmem>>
        %dma_start3A_637 = arith.constant 0 : i32
        %dma_start3A_638 = tpu.memref_slice %dma_start3A_636[%dma_start3A_630, %dma_start3A_637] : memref<8x128xi32, #tpu.memory_space<vmem>> -> memref<1x128xi32, #tpu.memory_space<vmem>>
        %dma_start3A_639 = tpu.memref_squeeze %dma_start3A_638 : memref<1x128xi32, #tpu.memory_space<vmem>> -> memref<128xi32, #tpu.memory_space<vmem>>
        %dma_start3A_640 = arith.constant 0 : i32
        %dma_start3A_641 = tpu.memref_slice %arg8[%dma_start3A_640] : memref<524416xf32, #tpu.memory_space<vmem_shared>> -> memref<524416xf32, #tpu.memory_space<vmem_shared>>
        tpu.enqueue_indirect_dma source(%dma_start3A_632 : memref<128xf32, #tpu.memory_space<vmem>>) target(%dma_start3A_641 : memref<524416xf32, #tpu.memory_space<vmem_shared>>) offsets(%dma_start3A_639 : memref<128xi32, #tpu.memory_space<vmem>>) semaphore(%arg20 : memref<!tpu.dma_semaphore, #tpu.memory_space<semaphore_mem>>)
        %dma_start3A_642 = arith.constant 1 : i32
        %dma_start3A_643 = arith.constant 0 : i32
        %dma_start3A_644 = tpu.memref_slice %arg12[%dma_start3A_643] : memref<2048xf32, #tpu.memory_space<vmem>> -> memref<128xf32, #tpu.memory_space<vmem>>
        %dma_start3A_645 = arith.constant 0 : i32
        %dma_start3A_646 = arith.constant 0 : i32
        %dma_start3A_647 = tpu.memref_slice %arg9[%add3A_375, %dma_start3A_645, %dma_start3A_646] : memref<4x8x128xi32, #tpu.memory_space<vmem>> -> memref<1x8x128xi32, #tpu.memory_space<vmem>>
        %dma_start3A_648 = tpu.memref_squeeze %dma_start3A_647 : memref<1x8x128xi32, #tpu.memory_space<vmem>> -> memref<8x128xi32, #tpu.memory_space<vmem>>
        %dma_start3A_649 = arith.constant 0 : i32
        %dma_start3A_650 = tpu.memref_slice %dma_start3A_648[%dma_start3A_642, %dma_start3A_649] : memref<8x128xi32, #tpu.memory_space<vmem>> -> memref<1x128xi32, #tpu.memory_space<vmem>>
        %dma_start3A_651 = tpu.memref_squeeze %dma_start3A_650 : memref<1x128xi32, #tpu.memory_space<vmem>> -> memref<128xi32, #tpu.memory_space<vmem>>
        %dma_start3A_652 = arith.constant 0 : i32
        %dma_start3A_653 = tpu.memref_slice %arg8[%dma_start3A_652] : memref<524416xf32, #tpu.memory_space<vmem_shared>> -> memref<524416xf32, #tpu.memory_space<vmem_shared>>
        tpu.enqueue_indirect_dma source(%dma_start3A_644 : memref<128xf32, #tpu.memory_space<vmem>>) target(%dma_start3A_653 : memref<524416xf32, #tpu.memory_space<vmem_shared>>) offsets(%dma_start3A_651 : memref<128xi32, #tpu.memory_space<vmem>>) semaphore(%arg20 : memref<!tpu.dma_semaphore, #tpu.memory_space<semaphore_mem>>)
        %dma_start3A_654 = arith.constant 2 : i32
        %dma_start3A_655 = arith.constant 0 : i32
        %dma_start3A_656 = tpu.memref_slice %arg12[%dma_start3A_655] : memref<2048xf32, #tpu.memory_space<vmem>> -> memref<128xf32, #tpu.memory_space<vmem>>
        %dma_start3A_657 = arith.constant 0 : i32
        %dma_start3A_658 = arith.constant 0 : i32
        %dma_start3A_659 = tpu.memref_slice %arg9[%add3A_375, %dma_start3A_657, %dma_start3A_658] : memref<4x8x128xi32, #tpu.memory_space<vmem>> -> memref<1x8x128xi32, #tpu.memory_space<vmem>>
        %dma_start3A_660 = tpu.memref_squeeze %dma_start3A_659 : memref<1x8x128xi32, #tpu.memory_space<vmem>> -> memref<8x128xi32, #tpu.memory_space<vmem>>
        %dma_start3A_661 = arith.constant 0 : i32
        %dma_start3A_662 = tpu.memref_slice %dma_start3A_660[%dma_start3A_654, %dma_start3A_661] : memref<8x128xi32, #tpu.memory_space<vmem>> -> memref<1x128xi32, #tpu.memory_space<vmem>>
        %dma_start3A_663 = tpu.memref_squeeze %dma_start3A_662 : memref<1x128xi32, #tpu.memory_space<vmem>> -> memref<128xi32, #tpu.memory_space<vmem>>
        %dma_start3A_664 = arith.constant 0 : i32
        %dma_start3A_665 = tpu.memref_slice %arg8[%dma_start3A_664] : memref<524416xf32, #tpu.memory_space<vmem_shared>> -> memref<524416xf32, #tpu.memory_space<vmem_shared>>
        tpu.enqueue_indirect_dma source(%dma_start3A_656 : memref<128xf32, #tpu.memory_space<vmem>>) target(%dma_start3A_665 : memref<524416xf32, #tpu.memory_space<vmem_shared>>) offsets(%dma_start3A_663 : memref<128xi32, #tpu.memory_space<vmem>>) semaphore(%arg20 : memref<!tpu.dma_semaphore, #tpu.memory_space<semaphore_mem>>)
        %dma_start3A_666 = arith.constant 3 : i32
        %dma_start3A_667 = arith.constant 0 : i32
        %dma_start3A_668 = tpu.memref_slice %arg12[%dma_start3A_667] : memref<2048xf32, #tpu.memory_space<vmem>> -> memref<128xf32, #tpu.memory_space<vmem>>
        %dma_start3A_669 = arith.constant 0 : i32
        %dma_start3A_670 = arith.constant 0 : i32
        %dma_start3A_671 = tpu.memref_slice %arg9[%add3A_375, %dma_start3A_669, %dma_start3A_670] : memref<4x8x128xi32, #tpu.memory_space<vmem>> -> memref<1x8x128xi32, #tpu.memory_space<vmem>>
        %dma_start3A_672 = tpu.memref_squeeze %dma_start3A_671 : memref<1x8x128xi32, #tpu.memory_space<vmem>> -> memref<8x128xi32, #tpu.memory_space<vmem>>
        %dma_start3A_673 = arith.constant 0 : i32
        %dma_start3A_674 = tpu.memref_slice %dma_start3A_672[%dma_start3A_666, %dma_start3A_673] : memref<8x128xi32, #tpu.memory_space<vmem>> -> memref<1x128xi32, #tpu.memory_space<vmem>>
        %dma_start3A_675 = tpu.memref_squeeze %dma_start3A_674 : memref<1x128xi32, #tpu.memory_space<vmem>> -> memref<128xi32, #tpu.memory_space<vmem>>
        %dma_start3A_676 = arith.constant 0 : i32
        %dma_start3A_677 = tpu.memref_slice %arg8[%dma_start3A_676] : memref<524416xf32, #tpu.memory_space<vmem_shared>> -> memref<524416xf32, #tpu.memory_space<vmem_shared>>
        tpu.enqueue_indirect_dma source(%dma_start3A_668 : memref<128xf32, #tpu.memory_space<vmem>>) target(%dma_start3A_677 : memref<524416xf32, #tpu.memory_space<vmem_shared>>) offsets(%dma_start3A_675 : memref<128xi32, #tpu.memory_space<vmem>>) semaphore(%arg20 : memref<!tpu.dma_semaphore, #tpu.memory_space<semaphore_mem>>)
        %dma_start3A_678 = arith.constant 4 : i32
        %dma_start3A_679 = arith.constant 0 : i32
        %dma_start3A_680 = tpu.memref_slice %arg12[%dma_start3A_679] : memref<2048xf32, #tpu.memory_space<vmem>> -> memref<128xf32, #tpu.memory_space<vmem>>
        %dma_start3A_681 = arith.constant 0 : i32
        %dma_start3A_682 = arith.constant 0 : i32
        %dma_start3A_683 = tpu.memref_slice %arg9[%add3A_375, %dma_start3A_681, %dma_start3A_682] : memref<4x8x128xi32, #tpu.memory_space<vmem>> -> memref<1x8x128xi32, #tpu.memory_space<vmem>>
        %dma_start3A_684 = tpu.memref_squeeze %dma_start3A_683 : memref<1x8x128xi32, #tpu.memory_space<vmem>> -> memref<8x128xi32, #tpu.memory_space<vmem>>
        %dma_start3A_685 = arith.constant 0 : i32
        %dma_start3A_686 = tpu.memref_slice %dma_start3A_684[%dma_start3A_678, %dma_start3A_685] : memref<8x128xi32, #tpu.memory_space<vmem>> -> memref<1x128xi32, #tpu.memory_space<vmem>>
        %dma_start3A_687 = tpu.memref_squeeze %dma_start3A_686 : memref<1x128xi32, #tpu.memory_space<vmem>> -> memref<128xi32, #tpu.memory_space<vmem>>
        %dma_start3A_688 = arith.constant 0 : i32
        %dma_start3A_689 = tpu.memref_slice %arg8[%dma_start3A_688] : memref<524416xf32, #tpu.memory_space<vmem_shared>> -> memref<524416xf32, #tpu.memory_space<vmem_shared>>
        tpu.enqueue_indirect_dma source(%dma_start3A_680 : memref<128xf32, #tpu.memory_space<vmem>>) target(%dma_start3A_689 : memref<524416xf32, #tpu.memory_space<vmem_shared>>) offsets(%dma_start3A_687 : memref<128xi32, #tpu.memory_space<vmem>>) semaphore(%arg20 : memref<!tpu.dma_semaphore, #tpu.memory_space<semaphore_mem>>)
        %dma_start3A_690 = arith.constant 5 : i32
        %dma_start3A_691 = arith.constant 0 : i32
        %dma_start3A_692 = tpu.memref_slice %arg12[%dma_start3A_691] : memref<2048xf32, #tpu.memory_space<vmem>> -> memref<128xf32, #tpu.memory_space<vmem>>
        %dma_start3A_693 = arith.constant 0 : i32
        %dma_start3A_694 = arith.constant 0 : i32
        %dma_start3A_695 = tpu.memref_slice %arg9[%add3A_375, %dma_start3A_693, %dma_start3A_694] : memref<4x8x128xi32, #tpu.memory_space<vmem>> -> memref<1x8x128xi32, #tpu.memory_space<vmem>>
        %dma_start3A_696 = tpu.memref_squeeze %dma_start3A_695 : memref<1x8x128xi32, #tpu.memory_space<vmem>> -> memref<8x128xi32, #tpu.memory_space<vmem>>
        %dma_start3A_697 = arith.constant 0 : i32
        %dma_start3A_698 = tpu.memref_slice %dma_start3A_696[%dma_start3A_690, %dma_start3A_697] : memref<8x128xi32, #tpu.memory_space<vmem>> -> memref<1x128xi32, #tpu.memory_space<vmem>>
        %dma_start3A_699 = tpu.memref_squeeze %dma_start3A_698 : memref<1x128xi32, #tpu.memory_space<vmem>> -> memref<128xi32, #tpu.memory_space<vmem>>
        %dma_start3A_700 = arith.constant 0 : i32
        %dma_start3A_701 = tpu.memref_slice %arg8[%dma_start3A_700] : memref<524416xf32, #tpu.memory_space<vmem_shared>> -> memref<524416xf32, #tpu.memory_space<vmem_shared>>
        tpu.enqueue_indirect_dma source(%dma_start3A_692 : memref<128xf32, #tpu.memory_space<vmem>>) target(%dma_start3A_701 : memref<524416xf32, #tpu.memory_space<vmem_shared>>) offsets(%dma_start3A_699 : memref<128xi32, #tpu.memory_space<vmem>>) semaphore(%arg20 : memref<!tpu.dma_semaphore, #tpu.memory_space<semaphore_mem>>)
        %dma_start3A_702 = arith.constant 6 : i32
        %dma_start3A_703 = arith.constant 0 : i32
        %dma_start3A_704 = tpu.memref_slice %arg12[%dma_start3A_703] : memref<2048xf32, #tpu.memory_space<vmem>> -> memref<128xf32, #tpu.memory_space<vmem>>
        %dma_start3A_705 = arith.constant 0 : i32
        %dma_start3A_706 = arith.constant 0 : i32
        %dma_start3A_707 = tpu.memref_slice %arg9[%add3A_375, %dma_start3A_705, %dma_start3A_706] : memref<4x8x128xi32, #tpu.memory_space<vmem>> -> memref<1x8x128xi32, #tpu.memory_space<vmem>>
        %dma_start3A_708 = tpu.memref_squeeze %dma_start3A_707 : memref<1x8x128xi32, #tpu.memory_space<vmem>> -> memref<8x128xi32, #tpu.memory_space<vmem>>
        %dma_start3A_709 = arith.constant 0 : i32
        %dma_start3A_710 = tpu.memref_slice %dma_start3A_708[%dma_start3A_702, %dma_start3A_709] : memref<8x128xi32, #tpu.memory_space<vmem>> -> memref<1x128xi32, #tpu.memory_space<vmem>>
        %dma_start3A_711 = tpu.memref_squeeze %dma_start3A_710 : memref<1x128xi32, #tpu.memory_space<vmem>> -> memref<128xi32, #tpu.memory_space<vmem>>
        %dma_start3A_712 = arith.constant 0 : i32
        %dma_start3A_713 = tpu.memref_slice %arg8[%dma_start3A_712] : memref<524416xf32, #tpu.memory_space<vmem_shared>> -> memref<524416xf32, #tpu.memory_space<vmem_shared>>
        tpu.enqueue_indirect_dma source(%dma_start3A_704 : memref<128xf32, #tpu.memory_space<vmem>>) target(%dma_start3A_713 : memref<524416xf32, #tpu.memory_space<vmem_shared>>) offsets(%dma_start3A_711 : memref<128xi32, #tpu.memory_space<vmem>>) semaphore(%arg20 : memref<!tpu.dma_semaphore, #tpu.memory_space<semaphore_mem>>)
        %dma_start3A_714 = arith.constant 7 : i32
        %dma_start3A_715 = arith.constant 0 : i32
        %dma_start3A_716 = tpu.memref_slice %arg12[%dma_start3A_715] : memref<2048xf32, #tpu.memory_space<vmem>> -> memref<128xf32, #tpu.memory_space<vmem>>
        %dma_start3A_717 = arith.constant 0 : i32
        %dma_start3A_718 = arith.constant 0 : i32
        %dma_start3A_719 = tpu.memref_slice %arg9[%add3A_375, %dma_start3A_717, %dma_start3A_718] : memref<4x8x128xi32, #tpu.memory_space<vmem>> -> memref<1x8x128xi32, #tpu.memory_space<vmem>>
        %dma_start3A_720 = tpu.memref_squeeze %dma_start3A_719 : memref<1x8x128xi32, #tpu.memory_space<vmem>> -> memref<8x128xi32, #tpu.memory_space<vmem>>
        %dma_start3A_721 = arith.constant 0 : i32
        %dma_start3A_722 = tpu.memref_slice %dma_start3A_720[%dma_start3A_714, %dma_start3A_721] : memref<8x128xi32, #tpu.memory_space<vmem>> -> memref<1x128xi32, #tpu.memory_space<vmem>>
        %dma_start3A_723 = tpu.memref_squeeze %dma_start3A_722 : memref<1x128xi32, #tpu.memory_space<vmem>> -> memref<128xi32, #tpu.memory_space<vmem>>
        %dma_start3A_724 = arith.constant 0 : i32
        %dma_start3A_725 = tpu.memref_slice %arg8[%dma_start3A_724] : memref<524416xf32, #tpu.memory_space<vmem_shared>> -> memref<524416xf32, #tpu.memory_space<vmem_shared>>
        tpu.enqueue_indirect_dma source(%dma_start3A_716 : memref<128xf32, #tpu.memory_space<vmem>>) target(%dma_start3A_725 : memref<524416xf32, #tpu.memory_space<vmem_shared>>) offsets(%dma_start3A_723 : memref<128xi32, #tpu.memory_space<vmem>>) semaphore(%arg20 : memref<!tpu.dma_semaphore, #tpu.memory_space<semaphore_mem>>)
        %dma_wait3A_726 = arith.constant 0 : i32
        %dma_wait3A_727 = arith.constant 0 : i32
        %dma_wait3A_728 = arith.constant 0 : i32
        %dma_wait3A_729 = tpu.memref_slice %arg2[%dma_wait3A_726, %dma_wait3A_727, %dma_wait3A_728] : memref<256x8x128xf32, #tpu.memory_space<hbm>> -> memref<1x8x128xf32, #tpu.memory_space<hbm>>
        %dma_wait3A_730 = tpu.memref_squeeze %dma_wait3A_729 : memref<1x8x128xf32, #tpu.memory_space<hbm>> -> memref<8x128xf32, #tpu.memory_space<hbm>>
        %dma_wait3A_731 = arith.constant 0 : i32
        %dma_wait3A_732 = arith.constant 0 : i32
        %dma_wait3A_733 = tpu.memref_slice %arg2[%dma_wait3A_726, %dma_wait3A_731, %dma_wait3A_732] : memref<256x8x128xf32, #tpu.memory_space<hbm>> -> memref<1x8x128xf32, #tpu.memory_space<hbm>>
        %dma_wait3A_734 = tpu.memref_squeeze %dma_wait3A_733 : memref<1x8x128xf32, #tpu.memory_space<hbm>> -> memref<8x128xf32, #tpu.memory_space<hbm>>
        tpu.wait_dma2 semaphore(%arg20 : memref<!tpu.dma_semaphore, #tpu.memory_space<semaphore_mem>>) src(%dma_wait3A_734 : memref<8x128xf32, #tpu.memory_space<hbm>>) dst(%arg10 : memref<8x128xf32, #tpu.memory_space<vmem>>)
        %barrier3A_735 = arith.constant 0 : index
        tpu.barrier barrier_id(%barrier3A_735)
      } else {
      }
      %mul3A_411 = arith.constant 327680 : i32
      %mul3A_412 = arith.muli %add3A_333, %mul3A_411 : i32
      %mul3A_413 = arith.constant 20480 : i32
      %mul3A_414 = arith.muli %arg1, %mul3A_413 : i32
      %add3A_415 = arith.addi %mul3A_412, %mul3A_414 : i32
      %dma_start3A_416 = arith.constant 1 : i32
      %dma_start3A_417 = arith.constant 0 : i32
      %dma_start3A_418 = tpu.memref_slice %arg11[%dma_start3A_416, %dma_start3A_417] : memref<2x20480xf32, #tpu.memory_space<vmem>> -> memref<1x20480xf32, #tpu.memory_space<vmem>>
      %dma_start3A_419 = tpu.memref_squeeze %dma_start3A_418 : memref<1x20480xf32, #tpu.memory_space<vmem>> -> memref<20480xf32, #tpu.memory_space<vmem>>
      %dma_start3A_420 = tpu.memref_slice %arg4[%add3A_415] : memref<5242880xf32, #tpu.memory_space<hbm>> -> memref<20480xf32, #tpu.memory_space<hbm>>
      %dma_start3A_421 = arith.constant 0 : i32
      %dma_start3A_422 = tpu.memref_slice %arg11[%dma_start3A_416, %dma_start3A_421] : memref<2x20480xf32, #tpu.memory_space<vmem>> -> memref<1x20480xf32, #tpu.memory_space<vmem>>
      %dma_start3A_423 = tpu.memref_squeeze %dma_start3A_422 : memref<1x20480xf32, #tpu.memory_space<vmem>> -> memref<20480xf32, #tpu.memory_space<vmem>>
      %dma_start3A_424 = tpu.memref_slice %arg4[%add3A_415] : memref<5242880xf32, #tpu.memory_space<hbm>> -> memref<20480xf32, #tpu.memory_space<hbm>>
      tpu.enqueue_dma source(%dma_start3A_424 : memref<20480xf32, #tpu.memory_space<hbm>>) target(%dma_start3A_423 : memref<20480xf32, #tpu.memory_space<vmem>>) target_semaphore(%arg16 : memref<!tpu.dma_semaphore, #tpu.memory_space<semaphore_mem>>)
      %dma_wait3A_425 = arith.constant 0 : i32
      %dma_wait3A_426 = arith.constant 0 : i32
      %dma_wait3A_427 = arith.constant 0 : i32
      %dma_wait3A_428 = tpu.memref_slice %arg9[%add3A_353, %dma_wait3A_426, %dma_wait3A_427] : memref<4x8x128xi32, #tpu.memory_space<vmem>> -> memref<1x8x128xi32, #tpu.memory_space<vmem>>
      %dma_wait3A_429 = tpu.memref_squeeze %dma_wait3A_428 : memref<1x8x128xi32, #tpu.memory_space<vmem>> -> memref<8x128xi32, #tpu.memory_space<vmem>>
      %dma_wait3A_430 = arith.constant 0 : i32
      %dma_wait3A_431 = arith.constant 0 : i32
      %dma_wait3A_432 = tpu.memref_slice %arg3[%dma_wait3A_425, %dma_wait3A_430, %dma_wait3A_431] : memref<256x8x128xi32, #tpu.memory_space<hbm>> -> memref<1x8x128xi32, #tpu.memory_space<hbm>>
      %dma_wait3A_433 = tpu.memref_squeeze %dma_wait3A_432 : memref<1x8x128xi32, #tpu.memory_space<hbm>> -> memref<8x128xi32, #tpu.memory_space<hbm>>
      %dma_wait3A_434 = arith.constant 0 : i32
      %dma_wait3A_435 = arith.constant 0 : i32
      %dma_wait3A_436 = tpu.memref_slice %arg9[%add3A_353, %dma_wait3A_434, %dma_wait3A_435] : memref<4x8x128xi32, #tpu.memory_space<vmem>> -> memref<1x8x128xi32, #tpu.memory_space<vmem>>
      %dma_wait3A_437 = tpu.memref_squeeze %dma_wait3A_436 : memref<1x8x128xi32, #tpu.memory_space<vmem>> -> memref<8x128xi32, #tpu.memory_space<vmem>>
      %dma_wait3A_438 = arith.constant 0 : i32
      %dma_wait3A_439 = arith.constant 0 : i32
      %dma_wait3A_440 = tpu.memref_slice %arg3[%dma_wait3A_425, %dma_wait3A_438, %dma_wait3A_439] : memref<256x8x128xi32, #tpu.memory_space<hbm>> -> memref<1x8x128xi32, #tpu.memory_space<hbm>>
      %dma_wait3A_441 = tpu.memref_squeeze %dma_wait3A_440 : memref<1x8x128xi32, #tpu.memory_space<hbm>> -> memref<8x128xi32, #tpu.memory_space<hbm>>
      tpu.wait_dma2 semaphore(%arg19 : memref<!tpu.dma_semaphore, #tpu.memory_space<semaphore_mem>>) src(%dma_wait3A_441 : memref<8x128xi32, #tpu.memory_space<hbm>>) dst(%dma_wait3A_437 : memref<8x128xi32, #tpu.memory_space<vmem>>)
      %dma_wait3A_442 = arith.constant 0 : i32
      %dma_wait3A_443 = arith.constant 0 : i32
      %dma_wait3A_444 = arith.constant 0 : i32
      %dma_wait3A_445 = tpu.memref_slice %arg2[%dma_wait3A_442, %dma_wait3A_443, %dma_wait3A_444] : memref<256x8x128xf32, #tpu.memory_space<hbm>> -> memref<1x8x128xf32, #tpu.memory_space<hbm>>
      %dma_wait3A_446 = tpu.memref_squeeze %dma_wait3A_445 : memref<1x8x128xf32, #tpu.memory_space<hbm>> -> memref<8x128xf32, #tpu.memory_space<hbm>>
      %dma_wait3A_447 = arith.constant 0 : i32
      %dma_wait3A_448 = arith.constant 0 : i32
      %dma_wait3A_449 = tpu.memref_slice %arg2[%dma_wait3A_442, %dma_wait3A_447, %dma_wait3A_448] : memref<256x8x128xf32, #tpu.memory_space<hbm>> -> memref<1x8x128xf32, #tpu.memory_space<hbm>>
      %dma_wait3A_450 = tpu.memref_squeeze %dma_wait3A_449 : memref<1x8x128xf32, #tpu.memory_space<hbm>> -> memref<8x128xf32, #tpu.memory_space<hbm>>
      tpu.wait_dma2 semaphore(%arg19 : memref<!tpu.dma_semaphore, #tpu.memory_space<semaphore_mem>>) src(%dma_wait3A_450 : memref<8x128xf32, #tpu.memory_space<hbm>>) dst(%arg10 : memref<8x128xf32, #tpu.memory_space<vmem>>)
      %dma_start3A_451 = arith.constant 0 : i32
      %dma_start3A_452 = arith.constant 0 : i32
      %dma_start3A_453 = arith.constant 0 : i32
      %dma_start3A_454 = tpu.memref_slice %arg10[%dma_start3A_451, %dma_start3A_453] : memref<8x128xf32, #tpu.memory_space<vmem>> -> memref<1x128xf32, #tpu.memory_space<vmem>>
      %dma_start3A_455 = tpu.memref_squeeze %dma_start3A_454 : memref<1x128xf32, #tpu.memory_space<vmem>> -> memref<128xf32, #tpu.memory_space<vmem>>
      %dma_start3A_456 = arith.constant 0 : i32
      %dma_start3A_457 = arith.constant 0 : i32
      %dma_start3A_458 = tpu.memref_slice %arg9[%add3A_353, %dma_start3A_456, %dma_start3A_457] : memref<4x8x128xi32, #tpu.memory_space<vmem>> -> memref<1x8x128xi32, #tpu.memory_space<vmem>>
      %dma_start3A_459 = tpu.memref_squeeze %dma_start3A_458 : memref<1x8x128xi32, #tpu.memory_space<vmem>> -> memref<8x128xi32, #tpu.memory_space<vmem>>
      %dma_start3A_460 = arith.constant 0 : i32
      %dma_start3A_461 = tpu.memref_slice %dma_start3A_459[%dma_start3A_452, %dma_start3A_460] : memref<8x128xi32, #tpu.memory_space<vmem>> -> memref<1x128xi32, #tpu.memory_space<vmem>>
      %dma_start3A_462 = tpu.memref_squeeze %dma_start3A_461 : memref<1x128xi32, #tpu.memory_space<vmem>> -> memref<128xi32, #tpu.memory_space<vmem>>
      %dma_start3A_463 = arith.constant 0 : i32
      %dma_start3A_464 = tpu.memref_slice %arg8[%dma_start3A_463] : memref<524416xf32, #tpu.memory_space<vmem_shared>> -> memref<524416xf32, #tpu.memory_space<vmem_shared>>
      tpu.enqueue_indirect_dma source(%dma_start3A_455 : memref<128xf32, #tpu.memory_space<vmem>>) target(%dma_start3A_464 : memref<524416xf32, #tpu.memory_space<vmem_shared>>) offsets(%dma_start3A_462 : memref<128xi32, #tpu.memory_space<vmem>>) semaphore(%arg20 : memref<!tpu.dma_semaphore, #tpu.memory_space<semaphore_mem>>)
      %dma_start3A_465 = arith.constant 1 : i32
      %dma_start3A_466 = arith.constant 1 : i32
      %dma_start3A_467 = arith.constant 0 : i32
      %dma_start3A_468 = tpu.memref_slice %arg10[%dma_start3A_465, %dma_start3A_467] : memref<8x128xf32, #tpu.memory_space<vmem>> -> memref<1x128xf32, #tpu.memory_space<vmem>>
      %dma_start3A_469 = tpu.memref_squeeze %dma_start3A_468 : memref<1x128xf32, #tpu.memory_space<vmem>> -> memref<128xf32, #tpu.memory_space<vmem>>
      %dma_start3A_470 = arith.constant 0 : i32
      %dma_start3A_471 = arith.constant 0 : i32
      %dma_start3A_472 = tpu.memref_slice %arg9[%add3A_353, %dma_start3A_470, %dma_start3A_471] : memref<4x8x128xi32, #tpu.memory_space<vmem>> -> memref<1x8x128xi32, #tpu.memory_space<vmem>>
      %dma_start3A_473 = tpu.memref_squeeze %dma_start3A_472 : memref<1x8x128xi32, #tpu.memory_space<vmem>> -> memref<8x128xi32, #tpu.memory_space<vmem>>
      %dma_start3A_474 = arith.constant 0 : i32
      %dma_start3A_475 = tpu.memref_slice %dma_start3A_473[%dma_start3A_466, %dma_start3A_474] : memref<8x128xi32, #tpu.memory_space<vmem>> -> memref<1x128xi32, #tpu.memory_space<vmem>>
      %dma_start3A_476 = tpu.memref_squeeze %dma_start3A_475 : memref<1x128xi32, #tpu.memory_space<vmem>> -> memref<128xi32, #tpu.memory_space<vmem>>
      %dma_start3A_477 = arith.constant 0 : i32
      %dma_start3A_478 = tpu.memref_slice %arg8[%dma_start3A_477] : memref<524416xf32, #tpu.memory_space<vmem_shared>> -> memref<524416xf32, #tpu.memory_space<vmem_shared>>
      tpu.enqueue_indirect_dma source(%dma_start3A_469 : memref<128xf32, #tpu.memory_space<vmem>>) target(%dma_start3A_478 : memref<524416xf32, #tpu.memory_space<vmem_shared>>) offsets(%dma_start3A_476 : memref<128xi32, #tpu.memory_space<vmem>>) semaphore(%arg20 : memref<!tpu.dma_semaphore, #tpu.memory_space<semaphore_mem>>)
      %dma_start3A_479 = arith.constant 2 : i32
      %dma_start3A_480 = arith.constant 2 : i32
      %dma_start3A_481 = arith.constant 0 : i32
      %dma_start3A_482 = tpu.memref_slice %arg10[%dma_start3A_479, %dma_start3A_481] : memref<8x128xf32, #tpu.memory_space<vmem>> -> memref<1x128xf32, #tpu.memory_space<vmem>>
      %dma_start3A_483 = tpu.memref_squeeze %dma_start3A_482 : memref<1x128xf32, #tpu.memory_space<vmem>> -> memref<128xf32, #tpu.memory_space<vmem>>
      %dma_start3A_484 = arith.constant 0 : i32
      %dma_start3A_485 = arith.constant 0 : i32
      %dma_start3A_486 = tpu.memref_slice %arg9[%add3A_353, %dma_start3A_484, %dma_start3A_485] : memref<4x8x128xi32, #tpu.memory_space<vmem>> -> memref<1x8x128xi32, #tpu.memory_space<vmem>>
      %dma_start3A_487 = tpu.memref_squeeze %dma_start3A_486 : memref<1x8x128xi32, #tpu.memory_space<vmem>> -> memref<8x128xi32, #tpu.memory_space<vmem>>
      %dma_start3A_488 = arith.constant 0 : i32
      %dma_start3A_489 = tpu.memref_slice %dma_start3A_487[%dma_start3A_480, %dma_start3A_488] : memref<8x128xi32, #tpu.memory_space<vmem>> -> memref<1x128xi32, #tpu.memory_space<vmem>>
      %dma_start3A_490 = tpu.memref_squeeze %dma_start3A_489 : memref<1x128xi32, #tpu.memory_space<vmem>> -> memref<128xi32, #tpu.memory_space<vmem>>
      %dma_start3A_491 = arith.constant 0 : i32
      %dma_start3A_492 = tpu.memref_slice %arg8[%dma_start3A_491] : memref<524416xf32, #tpu.memory_space<vmem_shared>> -> memref<524416xf32, #tpu.memory_space<vmem_shared>>
      tpu.enqueue_indirect_dma source(%dma_start3A_483 : memref<128xf32, #tpu.memory_space<vmem>>) target(%dma_start3A_492 : memref<524416xf32, #tpu.memory_space<vmem_shared>>) offsets(%dma_start3A_490 : memref<128xi32, #tpu.memory_space<vmem>>) semaphore(%arg20 : memref<!tpu.dma_semaphore, #tpu.memory_space<semaphore_mem>>)
      %dma_start3A_493 = arith.constant 3 : i32
      %dma_start3A_494 = arith.constant 3 : i32
      %dma_start3A_495 = arith.constant 0 : i32
      %dma_start3A_496 = tpu.memref_slice %arg10[%dma_start3A_493, %dma_start3A_495] : memref<8x128xf32, #tpu.memory_space<vmem>> -> memref<1x128xf32, #tpu.memory_space<vmem>>
      %dma_start3A_497 = tpu.memref_squeeze %dma_start3A_496 : memref<1x128xf32, #tpu.memory_space<vmem>> -> memref<128xf32, #tpu.memory_space<vmem>>
      %dma_start3A_498 = arith.constant 0 : i32
      %dma_start3A_499 = arith.constant 0 : i32
      %dma_start3A_500 = tpu.memref_slice %arg9[%add3A_353, %dma_start3A_498, %dma_start3A_499] : memref<4x8x128xi32, #tpu.memory_space<vmem>> -> memref<1x8x128xi32, #tpu.memory_space<vmem>>
      %dma_start3A_501 = tpu.memref_squeeze %dma_start3A_500 : memref<1x8x128xi32, #tpu.memory_space<vmem>> -> memref<8x128xi32, #tpu.memory_space<vmem>>
      %dma_start3A_502 = arith.constant 0 : i32
      %dma_start3A_503 = tpu.memref_slice %dma_start3A_501[%dma_start3A_494, %dma_start3A_502] : memref<8x128xi32, #tpu.memory_space<vmem>> -> memref<1x128xi32, #tpu.memory_space<vmem>>
      %dma_start3A_504 = tpu.memref_squeeze %dma_start3A_503 : memref<1x128xi32, #tpu.memory_space<vmem>> -> memref<128xi32, #tpu.memory_space<vmem>>
      %dma_start3A_505 = arith.constant 0 : i32
      %dma_start3A_506 = tpu.memref_slice %arg8[%dma_start3A_505] : memref<524416xf32, #tpu.memory_space<vmem_shared>> -> memref<524416xf32, #tpu.memory_space<vmem_shared>>
      tpu.enqueue_indirect_dma source(%dma_start3A_497 : memref<128xf32, #tpu.memory_space<vmem>>) target(%dma_start3A_506 : memref<524416xf32, #tpu.memory_space<vmem_shared>>) offsets(%dma_start3A_504 : memref<128xi32, #tpu.memory_space<vmem>>) semaphore(%arg20 : memref<!tpu.dma_semaphore, #tpu.memory_space<semaphore_mem>>)
      %dma_start3A_507 = arith.constant 4 : i32
      %dma_start3A_508 = arith.constant 4 : i32
      %dma_start3A_509 = arith.constant 0 : i32
      %dma_start3A_510 = tpu.memref_slice %arg10[%dma_start3A_507, %dma_start3A_509] : memref<8x128xf32, #tpu.memory_space<vmem>> -> memref<1x128xf32, #tpu.memory_space<vmem>>
      %dma_start3A_511 = tpu.memref_squeeze %dma_start3A_510 : memref<1x128xf32, #tpu.memory_space<vmem>> -> memref<128xf32, #tpu.memory_space<vmem>>
      %dma_start3A_512 = arith.constant 0 : i32
      %dma_start3A_513 = arith.constant 0 : i32
      %dma_start3A_514 = tpu.memref_slice %arg9[%add3A_353, %dma_start3A_512, %dma_start3A_513] : memref<4x8x128xi32, #tpu.memory_space<vmem>> -> memref<1x8x128xi32, #tpu.memory_space<vmem>>
      %dma_start3A_515 = tpu.memref_squeeze %dma_start3A_514 : memref<1x8x128xi32, #tpu.memory_space<vmem>> -> memref<8x128xi32, #tpu.memory_space<vmem>>
      %dma_start3A_516 = arith.constant 0 : i32
      %dma_start3A_517 = tpu.memref_slice %dma_start3A_515[%dma_start3A_508, %dma_start3A_516] : memref<8x128xi32, #tpu.memory_space<vmem>> -> memref<1x128xi32, #tpu.memory_space<vmem>>
      %dma_start3A_518 = tpu.memref_squeeze %dma_start3A_517 : memref<1x128xi32, #tpu.memory_space<vmem>> -> memref<128xi32, #tpu.memory_space<vmem>>
      %dma_start3A_519 = arith.constant 0 : i32
      %dma_start3A_520 = tpu.memref_slice %arg8[%dma_start3A_519] : memref<524416xf32, #tpu.memory_space<vmem_shared>> -> memref<524416xf32, #tpu.memory_space<vmem_shared>>
      tpu.enqueue_indirect_dma source(%dma_start3A_511 : memref<128xf32, #tpu.memory_space<vmem>>) target(%dma_start3A_520 : memref<524416xf32, #tpu.memory_space<vmem_shared>>) offsets(%dma_start3A_518 : memref<128xi32, #tpu.memory_space<vmem>>) semaphore(%arg20 : memref<!tpu.dma_semaphore, #tpu.memory_space<semaphore_mem>>)
      %dma_start3A_521 = arith.constant 5 : i32
      %dma_start3A_522 = arith.constant 5 : i32
      %dma_start3A_523 = arith.constant 0 : i32
      %dma_start3A_524 = tpu.memref_slice %arg10[%dma_start3A_521, %dma_start3A_523] : memref<8x128xf32, #tpu.memory_space<vmem>> -> memref<1x128xf32, #tpu.memory_space<vmem>>
      %dma_start3A_525 = tpu.memref_squeeze %dma_start3A_524 : memref<1x128xf32, #tpu.memory_space<vmem>> -> memref<128xf32, #tpu.memory_space<vmem>>
      %dma_start3A_526 = arith.constant 0 : i32
      %dma_start3A_527 = arith.constant 0 : i32
      %dma_start3A_528 = tpu.memref_slice %arg9[%add3A_353, %dma_start3A_526, %dma_start3A_527] : memref<4x8x128xi32, #tpu.memory_space<vmem>> -> memref<1x8x128xi32, #tpu.memory_space<vmem>>
      %dma_start3A_529 = tpu.memref_squeeze %dma_start3A_528 : memref<1x8x128xi32, #tpu.memory_space<vmem>> -> memref<8x128xi32, #tpu.memory_space<vmem>>
      %dma_start3A_530 = arith.constant 0 : i32
      %dma_start3A_531 = tpu.memref_slice %dma_start3A_529[%dma_start3A_522, %dma_start3A_530] : memref<8x128xi32, #tpu.memory_space<vmem>> -> memref<1x128xi32, #tpu.memory_space<vmem>>
      %dma_start3A_532 = tpu.memref_squeeze %dma_start3A_531 : memref<1x128xi32, #tpu.memory_space<vmem>> -> memref<128xi32, #tpu.memory_space<vmem>>
      %dma_start3A_533 = arith.constant 0 : i32
      %dma_start3A_534 = tpu.memref_slice %arg8[%dma_start3A_533] : memref<524416xf32, #tpu.memory_space<vmem_shared>> -> memref<524416xf32, #tpu.memory_space<vmem_shared>>
      tpu.enqueue_indirect_dma source(%dma_start3A_525 : memref<128xf32, #tpu.memory_space<vmem>>) target(%dma_start3A_534 : memref<524416xf32, #tpu.memory_space<vmem_shared>>) offsets(%dma_start3A_532 : memref<128xi32, #tpu.memory_space<vmem>>) semaphore(%arg20 : memref<!tpu.dma_semaphore, #tpu.memory_space<semaphore_mem>>)
      %dma_start3A_535 = arith.constant 6 : i32
      %dma_start3A_536 = arith.constant 6 : i32
      %dma_start3A_537 = arith.constant 0 : i32
      %dma_start3A_538 = tpu.memref_slice %arg10[%dma_start3A_535, %dma_start3A_537] : memref<8x128xf32, #tpu.memory_space<vmem>> -> memref<1x128xf32, #tpu.memory_space<vmem>>
      %dma_start3A_539 = tpu.memref_squeeze %dma_start3A_538 : memref<1x128xf32, #tpu.memory_space<vmem>> -> memref<128xf32, #tpu.memory_space<vmem>>
      %dma_start3A_540 = arith.constant 0 : i32
      %dma_start3A_541 = arith.constant 0 : i32
      %dma_start3A_542 = tpu.memref_slice %arg9[%add3A_353, %dma_start3A_540, %dma_start3A_541] : memref<4x8x128xi32, #tpu.memory_space<vmem>> -> memref<1x8x128xi32, #tpu.memory_space<vmem>>
      %dma_start3A_543 = tpu.memref_squeeze %dma_start3A_542 : memref<1x8x128xi32, #tpu.memory_space<vmem>> -> memref<8x128xi32, #tpu.memory_space<vmem>>
      %dma_start3A_544 = arith.constant 0 : i32
      %dma_start3A_545 = tpu.memref_slice %dma_start3A_543[%dma_start3A_536, %dma_start3A_544] : memref<8x128xi32, #tpu.memory_space<vmem>> -> memref<1x128xi32, #tpu.memory_space<vmem>>
      %dma_start3A_546 = tpu.memref_squeeze %dma_start3A_545 : memref<1x128xi32, #tpu.memory_space<vmem>> -> memref<128xi32, #tpu.memory_space<vmem>>
      %dma_start3A_547 = arith.constant 0 : i32
      %dma_start3A_548 = tpu.memref_slice %arg8[%dma_start3A_547] : memref<524416xf32, #tpu.memory_space<vmem_shared>> -> memref<524416xf32, #tpu.memory_space<vmem_shared>>
      tpu.enqueue_indirect_dma source(%dma_start3A_539 : memref<128xf32, #tpu.memory_space<vmem>>) target(%dma_start3A_548 : memref<524416xf32, #tpu.memory_space<vmem_shared>>) offsets(%dma_start3A_546 : memref<128xi32, #tpu.memory_space<vmem>>) semaphore(%arg20 : memref<!tpu.dma_semaphore, #tpu.memory_space<semaphore_mem>>)
      %dma_start3A_549 = arith.constant 7 : i32
      %dma_start3A_550 = arith.constant 7 : i32
      %dma_start3A_551 = arith.constant 0 : i32
      %dma_start3A_552 = tpu.memref_slice %arg10[%dma_start3A_549, %dma_start3A_551] : memref<8x128xf32, #tpu.memory_space<vmem>> -> memref<1x128xf32, #tpu.memory_space<vmem>>
      %dma_start3A_553 = tpu.memref_squeeze %dma_start3A_552 : memref<1x128xf32, #tpu.memory_space<vmem>> -> memref<128xf32, #tpu.memory_space<vmem>>
      %dma_start3A_554 = arith.constant 0 : i32
      %dma_start3A_555 = arith.constant 0 : i32
      %dma_start3A_556 = tpu.memref_slice %arg9[%add3A_353, %dma_start3A_554, %dma_start3A_555] : memref<4x8x128xi32, #tpu.memory_space<vmem>> -> memref<1x8x128xi32, #tpu.memory_space<vmem>>
      %dma_start3A_557 = tpu.memref_squeeze %dma_start3A_556 : memref<1x8x128xi32, #tpu.memory_space<vmem>> -> memref<8x128xi32, #tpu.memory_space<vmem>>
      %dma_start3A_558 = arith.constant 0 : i32
      %dma_start3A_559 = tpu.memref_slice %dma_start3A_557[%dma_start3A_550, %dma_start3A_558] : memref<8x128xi32, #tpu.memory_space<vmem>> -> memref<1x128xi32, #tpu.memory_space<vmem>>
      %dma_start3A_560 = tpu.memref_squeeze %dma_start3A_559 : memref<1x128xi32, #tpu.memory_space<vmem>> -> memref<128xi32, #tpu.memory_space<vmem>>
      %dma_start3A_561 = arith.constant 0 : i32
      %dma_start3A_562 = tpu.memref_slice %arg8[%dma_start3A_561] : memref<524416xf32, #tpu.memory_space<vmem_shared>> -> memref<524416xf32, #tpu.memory_space<vmem_shared>>
      tpu.enqueue_indirect_dma source(%dma_start3A_553 : memref<128xf32, #tpu.memory_space<vmem>>) target(%dma_start3A_562 : memref<524416xf32, #tpu.memory_space<vmem_shared>>) offsets(%dma_start3A_560 : memref<128xi32, #tpu.memory_space<vmem>>) semaphore(%arg20 : memref<!tpu.dma_semaphore, #tpu.memory_space<semaphore_mem>>)
      %dma_wait3A_563 = arith.constant 0 : i32
      %dma_wait3A_564 = arith.constant 0 : i32
      %dma_wait3A_565 = arith.constant 0 : i32
      %dma_wait3A_566 = tpu.memref_slice %arg2[%dma_wait3A_563, %dma_wait3A_564, %dma_wait3A_565] : memref<256x8x128xf32, #tpu.memory_space<hbm>> -> memref<1x8x128xf32, #tpu.memory_space<hbm>>
      %dma_wait3A_567 = tpu.memref_squeeze %dma_wait3A_566 : memref<1x8x128xf32, #tpu.memory_space<hbm>> -> memref<8x128xf32, #tpu.memory_space<hbm>>
      %dma_wait3A_568 = arith.constant 0 : i32
      %dma_wait3A_569 = arith.constant 0 : i32
      %dma_wait3A_570 = tpu.memref_slice %arg2[%dma_wait3A_563, %dma_wait3A_568, %dma_wait3A_569] : memref<256x8x128xf32, #tpu.memory_space<hbm>> -> memref<1x8x128xf32, #tpu.memory_space<hbm>>
      %dma_wait3A_571 = tpu.memref_squeeze %dma_wait3A_570 : memref<1x8x128xf32, #tpu.memory_space<hbm>> -> memref<8x128xf32, #tpu.memory_space<hbm>>
      tpu.wait_dma2 semaphore(%arg20 : memref<!tpu.dma_semaphore, #tpu.memory_space<semaphore_mem>>) src(%dma_wait3A_571 : memref<8x128xf32, #tpu.memory_space<hbm>>) dst(%arg10 : memref<8x128xf32, #tpu.memory_space<vmem>>)
      %barrier3A_572 = arith.constant 0 : index
      tpu.barrier barrier_id(%barrier3A_572)
      %mul3A_573 = arith.constant 32768 : i32
      %mul3A_574 = arith.muli %arg1, %mul3A_573 : i32
      %mul3A_575 = arith.constant 52 : i32
      %mul3A_576 = arith.muli %add3A_333, %mul3A_575 : i32
      %add3A_577 = arith.constant 20 : i32
      %add3A_578 = arith.addi %mul3A_576, %add3A_577 : i32
      %mul3A_579 = arith.constant 16384 : i32
      %mul3A_580 = arith.muli %add3A_578, %mul3A_579 : i32
      %mul3A_581 = arith.constant 32768 : i32
      %mul3A_582 = arith.muli %arg1, %mul3A_581 : i32
      %add3A_583 = arith.addi %mul3A_580, %mul3A_582 : i32
      %dma_start3A_584 = tpu.memref_slice %arg5[%add3A_583] : memref<13631488xf32, #tpu.memory_space<hbm>> -> memref<32768xf32, #tpu.memory_space<hbm>>
      %dma_start3A_585 = tpu.memref_slice %arg8[%mul3A_574] : memref<524416xf32, #tpu.memory_space<vmem_shared>> -> memref<32768xf32, #tpu.memory_space<vmem_shared>>
      tpu.enqueue_dma source(%dma_start3A_585 : memref<32768xf32, #tpu.memory_space<vmem_shared>>) target(%dma_start3A_584 : memref<32768xf32, #tpu.memory_space<hbm>>) target_semaphore(%arg14 : memref<!tpu.dma_semaphore, #tpu.memory_space<semaphore_mem>>)
      %dma_wait3A_586 = arith.constant 1 : i32
      %dma_wait3A_587 = arith.constant 0 : i32
      %dma_wait3A_588 = tpu.memref_slice %arg11[%dma_wait3A_586, %dma_wait3A_587] : memref<2x20480xf32, #tpu.memory_space<vmem>> -> memref<1x20480xf32, #tpu.memory_space<vmem>>
      %dma_wait3A_589 = tpu.memref_squeeze %dma_wait3A_588 : memref<1x20480xf32, #tpu.memory_space<vmem>> -> memref<20480xf32, #tpu.memory_space<vmem>>
      %dma_wait3A_590 = arith.constant 0 : i32
      %dma_wait3A_591 = tpu.memref_slice %arg4[%dma_wait3A_590] : memref<5242880xf32, #tpu.memory_space<hbm>> -> memref<20480xf32, #tpu.memory_space<hbm>>
      %dma_wait3A_592 = arith.constant 0 : i32
      %dma_wait3A_593 = tpu.memref_slice %arg11[%dma_wait3A_586, %dma_wait3A_592] : memref<2x20480xf32, #tpu.memory_space<vmem>> -> memref<1x20480xf32, #tpu.memory_space<vmem>>
      %dma_wait3A_594 = tpu.memref_squeeze %dma_wait3A_593 : memref<1x20480xf32, #tpu.memory_space<vmem>> -> memref<20480xf32, #tpu.memory_space<vmem>>
      %dma_wait3A_595 = arith.constant 0 : i32
      %dma_wait3A_596 = tpu.memref_slice %arg4[%dma_wait3A_595] : memref<5242880xf32, #tpu.memory_space<hbm>> -> memref<20480xf32, #tpu.memory_space<hbm>>
      tpu.wait_dma2 semaphore(%arg16 : memref<!tpu.dma_semaphore, #tpu.memory_space<semaphore_mem>>) src(%dma_wait3A_596 : memref<20480xf32, #tpu.memory_space<hbm>>) dst(%dma_wait3A_594 : memref<20480xf32, #tpu.memory_space<vmem>>)
      %mul3A_597 = arith.constant 52 : i32
      %mul3A_598 = arith.muli %add3A_333, %mul3A_597 : i32
      %mul3A_599 = arith.constant 16384 : i32
      %mul3A_600 = arith.muli %mul3A_598, %mul3A_599 : i32
      %mul3A_601 = arith.constant 20480 : i32
      %mul3A_602 = arith.muli %arg1, %mul3A_601 : i32
      %add3A_603 = arith.addi %mul3A_600, %mul3A_602 : i32
      %dma_start3A_604 = arith.constant 1 : i32
      %dma_start3A_605 = arith.constant 0 : i32
      %dma_start3A_606 = tpu.memref_slice %arg11[%dma_start3A_604, %dma_start3A_605] : memref<2x20480xf32, #tpu.memory_space<vmem>> -> memref<1x20480xf32, #tpu.memory_space<vmem>>
      %dma_start3A_607 = tpu.memref_squeeze %dma_start3A_606 : memref<1x20480xf32, #tpu.memory_space<vmem>> -> memref<20480xf32, #tpu.memory_space<vmem>>
      %dma_start3A_608 = tpu.memref_slice %arg5[%add3A_603] : memref<13631488xf32, #tpu.memory_space<hbm>> -> memref<20480xf32, #tpu.memory_space<hbm>>
      %dma_start3A_609 = tpu.memref_slice %arg5[%add3A_603] : memref<13631488xf32, #tpu.memory_space<hbm>> -> memref<20480xf32, #tpu.memory_space<hbm>>
      %dma_start3A_610 = arith.constant 0 : i32
      %dma_start3A_611 = tpu.memref_slice %arg11[%dma_start3A_604, %dma_start3A_610] : memref<2x20480xf32, #tpu.memory_space<vmem>> -> memref<1x20480xf32, #tpu.memory_space<vmem>>
      %dma_start3A_612 = tpu.memref_squeeze %dma_start3A_611 : memref<1x20480xf32, #tpu.memory_space<vmem>> -> memref<20480xf32, #tpu.memory_space<vmem>>
      tpu.enqueue_dma source(%dma_start3A_612 : memref<20480xf32, #tpu.memory_space<vmem>>) target(%dma_start3A_609 : memref<20480xf32, #tpu.memory_space<hbm>>) target_semaphore(%arg18 : memref<!tpu.dma_semaphore, #tpu.memory_space<semaphore_mem>>)
    }
    %scan3A_18 = arith.constant 4 : i32
    %dma_wait3A = arith.constant 0 : i32
    %dma_wait3A_19 = arith.constant 0 : i32
    %dma_wait3A_20 = tpu.memref_slice %arg11[%dma_wait3A, %dma_wait3A_19] : memref<2x20480xf32, #tpu.memory_space<vmem>> -> memref<1x20480xf32, #tpu.memory_space<vmem>>
    %dma_wait3A_21 = tpu.memref_squeeze %dma_wait3A_20 : memref<1x20480xf32, #tpu.memory_space<vmem>> -> memref<20480xf32, #tpu.memory_space<vmem>>
    %dma_wait3A_22 = arith.constant 0 : i32
    %dma_wait3A_23 = tpu.memref_slice %arg4[%dma_wait3A_22] : memref<5242880xf32, #tpu.memory_space<hbm>> -> memref<20480xf32, #tpu.memory_space<hbm>>
    %dma_wait3A_24 = arith.constant 0 : i32
    %dma_wait3A_25 = tpu.memref_slice %arg11[%dma_wait3A, %dma_wait3A_24] : memref<2x20480xf32, #tpu.memory_space<vmem>> -> memref<1x20480xf32, #tpu.memory_space<vmem>>
    %dma_wait3A_26 = tpu.memref_squeeze %dma_wait3A_25 : memref<1x20480xf32, #tpu.memory_space<vmem>> -> memref<20480xf32, #tpu.memory_space<vmem>>
    %dma_wait3A_27 = arith.constant 0 : i32
    %dma_wait3A_28 = tpu.memref_slice %arg4[%dma_wait3A_27] : memref<5242880xf32, #tpu.memory_space<hbm>> -> memref<20480xf32, #tpu.memory_space<hbm>>
    tpu.wait_dma2 semaphore(%arg17 : memref<!tpu.dma_semaphore, #tpu.memory_space<semaphore_mem>>) src(%dma_wait3A_28 : memref<20480xf32, #tpu.memory_space<hbm>>) dst(%dma_wait3A_26 : memref<20480xf32, #tpu.memory_space<vmem>>)
    %mul3A = arith.constant 32768 : i32
    %mul3A_29 = arith.muli %arg1, %mul3A : i32
    %dma_wait3A_30 = tpu.memref_slice %arg7[%mul3A_29] : memref<524416xf32, #tpu.memory_space<vmem_shared>> -> memref<32768xf32, #tpu.memory_space<vmem_shared>>
    %dma_wait3A_31 = arith.constant 0 : i32
    %dma_wait3A_32 = tpu.memref_slice %arg5[%dma_wait3A_31] : memref<13631488xf32, #tpu.memory_space<hbm>> -> memref<32768xf32, #tpu.memory_space<hbm>>
    tpu.wait_dma2 semaphore(%arg13 : memref<!tpu.dma_semaphore, #tpu.memory_space<semaphore_mem>>) src(%dma_wait3A_32 : memref<32768xf32, #tpu.memory_space<hbm>>) dst(%dma_wait3A_30 : memref<32768xf32, #tpu.memory_space<vmem_shared>>)
    %dma_wait3A_33 = arith.constant 1 : i32
    %dma_wait3A_34 = arith.constant 0 : i32
    %dma_wait3A_35 = tpu.memref_slice %arg11[%dma_wait3A_33, %dma_wait3A_34] : memref<2x20480xf32, #tpu.memory_space<vmem>> -> memref<1x20480xf32, #tpu.memory_space<vmem>>
    %dma_wait3A_36 = tpu.memref_squeeze %dma_wait3A_35 : memref<1x20480xf32, #tpu.memory_space<vmem>> -> memref<20480xf32, #tpu.memory_space<vmem>>
    %dma_wait3A_37 = arith.constant 0 : i32
    %dma_wait3A_38 = tpu.memref_slice %arg4[%dma_wait3A_37] : memref<5242880xf32, #tpu.memory_space<hbm>> -> memref<20480xf32, #tpu.memory_space<hbm>>
    %dma_wait3A_39 = arith.constant 0 : i32
    %dma_wait3A_40 = tpu.memref_slice %arg11[%dma_wait3A_33, %dma_wait3A_39] : memref<2x20480xf32, #tpu.memory_space<vmem>> -> memref<1x20480xf32, #tpu.memory_space<vmem>>
    %dma_wait3A_41 = tpu.memref_squeeze %dma_wait3A_40 : memref<1x20480xf32, #tpu.memory_space<vmem>> -> memref<20480xf32, #tpu.memory_space<vmem>>
    %dma_wait3A_42 = arith.constant 0 : i32
    %dma_wait3A_43 = tpu.memref_slice %arg4[%dma_wait3A_42] : memref<5242880xf32, #tpu.memory_space<hbm>> -> memref<20480xf32, #tpu.memory_space<hbm>>
    tpu.wait_dma2 semaphore(%arg18 : memref<!tpu.dma_semaphore, #tpu.memory_space<semaphore_mem>>) src(%dma_wait3A_43 : memref<20480xf32, #tpu.memory_space<hbm>>) dst(%dma_wait3A_41 : memref<20480xf32, #tpu.memory_space<vmem>>)
    %mul3A_44 = arith.constant 32768 : i32
    %mul3A_45 = arith.muli %arg1, %mul3A_44 : i32
    %dma_wait3A_46 = tpu.memref_slice %arg8[%mul3A_45] : memref<524416xf32, #tpu.memory_space<vmem_shared>> -> memref<32768xf32, #tpu.memory_space<vmem_shared>>
    %dma_wait3A_47 = arith.constant 0 : i32
    %dma_wait3A_48 = tpu.memref_slice %arg5[%dma_wait3A_47] : memref<13631488xf32, #tpu.memory_space<hbm>> -> memref<32768xf32, #tpu.memory_space<hbm>>
    tpu.wait_dma2 semaphore(%arg14 : memref<!tpu.dma_semaphore, #tpu.memory_space<semaphore_mem>>) src(%dma_wait3A_48 : memref<32768xf32, #tpu.memory_space<hbm>>) dst(%dma_wait3A_46 : memref<32768xf32, #tpu.memory_space<vmem_shared>>)
    return
  }
}

module attributes {stable_mosaic.version = 14 : i64} {
  func.func @_tc_body(%arg0: i32, %arg1: memref<1x512x256xf32, #tpu.memory_space<vmem>>, %arg2: memref<1x1x512xi32, #tpu.memory_space<vmem>>, %arg3: memref<1x1x512xi32, #tpu.memory_space<vmem>>, %arg4: memref<256x32xf32, #tpu.memory_space<vmem>>, %arg5: memref<1x1x32xf32, #tpu.memory_space<vmem>>, %arg6: memref<1x1x8x128xf32, #tpu.memory_space<vmem>>, %arg7: memref<16x8x128xf32, #tpu.memory_space<vmem>>, %arg8: memref<16x8x128xi32, #tpu.memory_space<vmem>>) attributes {dimension_semantics = [#tpu.dimension_semantics<arbitrary>], iteration_bounds = array<i64: 16>, scalar_prefetch = 0 : i64, scratch_operands = 0 : i64, tpu.core_type = #tpu.core_type<tc>, window_params = [{transform_indices = @transform_0, window_bounds = array<i64: 1, 512, 256>}, {transform_indices = @transform_1, window_bounds = array<i64: 1, 1, 512>}, {transform_indices = @transform_2, window_bounds = array<i64: 1, 1, 512>}, {pipeline_mode = #tpu.pipeline_mode<synchronous>, transform_indices = @transform_3, window_bounds = array<i64: 256, 32>}, {pipeline_mode = #tpu.pipeline_mode<synchronous>, transform_indices = @transform_4, window_bounds = array<i64: 1, 1, 32>}, {transform_indices = @transform_5, window_bounds = array<i64: 1, 1, 8, 128>}, {transform_indices = @transform_6, window_bounds = array<i64: 16, 8, 128>}, {transform_indices = @transform_7, window_bounds = array<i64: 16, 8, 128>}]} {
    %broadcast_in_dim3A = arith.constant 0.000000e+00 : f32
    %broadcast_in_dim3A_0 = vector.broadcast %broadcast_in_dim3A : f32 to vector<1x1x8x128xf32>
    %swap3A = arith.constant 0 : index
    %swap3A_1 = arith.constant 0 : index
    %swap3A_2 = arith.constant 0 : index
    %swap3A_3 = arith.constant 0 : index
    %swap3A_4 = vector.load %arg6[%swap3A, %swap3A_1, %swap3A_2, %swap3A_3] : memref<1x1x8x128xf32, #tpu.memory_space<vmem>>, vector<1x1x8x128xf32>
    tpu.vector_store %arg6[%swap3A, %swap3A_1, %swap3A_2, %swap3A_3], %broadcast_in_dim3A_0 {strides = array<i32>} : memref<1x1x8x128xf32, #tpu.memory_space<vmem>>, vector<1x1x8x128xf32>,
    %get3A = arith.constant 0 : index
    %get3A_5 = arith.constant 0 : index
    %get3A_6 = vector.load %arg4[%get3A, %get3A_5] : memref<256x32xf32, #tpu.memory_space<vmem>>, vector<256x32xf32>
    %get3A_7 = arith.constant 0 : index
    %get3A_8 = arith.constant 0 : index
    %get3A_9 = arith.constant 0 : index
    %get3A_10 = vector.load %arg1[%get3A_7, %get3A_8, %get3A_9] : memref<1x512x256xf32, #tpu.memory_space<vmem>>, vector<1x512x256xf32>
    %get3A_11 = vector.shape_cast %get3A_10 : vector<1x512x256xf32> to vector<512x256xf32>
    %dot_general3A = arith.constant dense<0.000000e+00> : vector<32x512xf32>
    %dot_general3A_12 = tpu.matmul %get3A_6, %get3A_11, %dot_general3A {dimension_numbers = #tpu.dot_dimension_numbers<[0], [1], [1], [0], [0, 1, 1, 0], [], []>, transpose_lhs_hint = false} : vector<256x32xf32>, vector<512x256xf32>, vector<32x512xf32> -> vector<32x512xf32>
    %get3A_13 = arith.constant 0 : index
    %get3A_14 = arith.constant 0 : index
    %get3A_15 = arith.constant 0 : index
    %get3A_16 = vector.load %arg5[%get3A_13, %get3A_14, %get3A_15] : memref<1x1x32xf32, #tpu.memory_space<vmem>>, vector<1x1x32xf32>
    %get3A_17 = vector.shape_cast %get3A_16 : vector<1x1x32xf32> to vector<32xf32>
    %broadcast_in_dim3A_18 = vector.shape_cast %get3A_17 : vector<32xf32> to vector<32x1xf32>
    %add3A = vector.broadcast %broadcast_in_dim3A_18 : vector<32x1xf32> to vector<32x512xf32>
    %add3A_19 = arith.addf %dot_general3A_12, %add3A : vector<32x512xf32>
    %max3A = arith.constant 0.000000e+00 : f32
    %max3A_20 = vector.broadcast %max3A : f32 to vector<32x512xf32>
    %max3A_21 = arith.maximumf %add3A_19, %max3A_20 : vector<32x512xf32>
    %get3A_22 = arith.constant 0 : index
    %get3A_23 = arith.constant 0 : index
    %get3A_24 = arith.constant 0 : index
    %get3A_25 = vector.load %arg2[%get3A_22, %get3A_23, %get3A_24] : memref<1x1x512xi32, #tpu.memory_space<vmem>>, vector<1x1x512xi32>
    %get3A_26 = vector.shape_cast %get3A_25 : vector<1x1x512xi32> to vector<512xi32>
    %jit3A = arith.constant 0 : i32
    %jit3A_27 = arith.constant 127 : i32
    %max3A_28 = vector.broadcast %jit3A : i32 to vector<512xi32>
    %max3A_29 = arith.maxsi %max3A_28, %get3A_26 : vector<512xi32>
    %min3A = vector.broadcast %jit3A_27 : i32 to vector<512xi32>
    %min3A_30 = arith.minsi %min3A, %max3A_29 : vector<512xi32>
    %get3A_31 = arith.constant 0 : index
    %get3A_32 = arith.constant 0 : index
    %get3A_33 = arith.constant 0 : index
    %get3A_34 = vector.load %arg3[%get3A_31, %get3A_32, %get3A_33] : memref<1x1x512xi32, #tpu.memory_space<vmem>>, vector<1x1x512xi32>
    %get3A_35 = vector.shape_cast %get3A_34 : vector<1x1x512xi32> to vector<512xi32>
    %jit3A_36 = arith.constant 0 : i32
    %jit3A_37 = arith.constant 127 : i32
    %max3A_38 = vector.broadcast %jit3A_36 : i32 to vector<512xi32>
    %max3A_39 = arith.maxsi %max3A_38, %get3A_35 : vector<512xi32>
    %min3A_40 = vector.broadcast %jit3A_37 : i32 to vector<512xi32>
    %min3A_41 = arith.minsi %min3A_40, %max3A_39 : vector<512xi32>
    %mul3A = arith.constant 128 : i32
    %mul3A_42 = vector.broadcast %mul3A : i32 to vector<512xi32>
    %mul3A_43 = arith.muli %min3A_30, %mul3A_42 : vector<512xi32>
    %add3A_44 = arith.addi %mul3A_43, %min3A_41 : vector<512xi32>
    %broadcast_in_dim3A_45 = vector.shape_cast %add3A_44 : vector<512xi32> to vector<512x1xi32>
    %broadcast_in_dim3A_46 = vector.shape_cast %add3A_44 : vector<512xi32> to vector<1x512xi32>
    %eq3A = vector.broadcast %broadcast_in_dim3A_45 : vector<512x1xi32> to vector<512x512xi32>
    %eq3A_47 = vector.broadcast %broadcast_in_dim3A_46 : vector<1x512xi32> to vector<512x512xi32>
    %eq3A_48 = arith.cmpi eq, %eq3A, %eq3A_47 : vector<512x512xi32>
    %iota3A = tpu.iota {dimensions = array<i32: 1>} : vector<512x512xi32>
    %iota3A_49 = tpu.iota {dimensions = array<i32: 0>} : vector<512x512xi32>
    %gt3A = arith.cmpi sgt, %iota3A, %iota3A_49 : vector<512x512xi32>
    %and3A = arith.andi %eq3A_48, %gt3A : vector<512x512xi1>
    %reduce_or3A = arith.constant 1.000000e+00 : f32
    %reduce_or3A_50 = arith.constant 0.000000e+00 : f32
    %reduce_or3A_51 = vector.broadcast %reduce_or3A : f32 to vector<512x512xf32>
    %reduce_or3A_52 = vector.broadcast %reduce_or3A_50 : f32 to vector<512x512xf32>
    %reduce_or3A_53 = arith.select %and3A, %reduce_or3A_51, %reduce_or3A_52 : vector<512x512xi1>, vector<512x512xf32>
    %reduce_or3A_54 = arith.constant dense<0xFF800000> : vector<512xf32>
    %reduce_or3A_55 = vector.multi_reduction <maximumf>, %reduce_or3A_53, %reduce_or3A_54 [1] : vector<512x512xf32> to vector<512xf32>
    %reduce_or3A_56 = arith.constant 0.000000e+00 : f32
    %reduce_or3A_57 = vector.broadcast %reduce_or3A_56 : f32 to vector<512xf32>
    %reduce_or3A_58 = arith.cmpf ogt, %reduce_or3A_55, %reduce_or3A_57 : vector<512xf32>
    %reshape3A = vector.shape_cast %max3A_21 : vector<32x512xf32> to vector<16x8x128xf32>
    %swap3A_59 = arith.constant 0 : index
    %swap3A_60 = arith.constant 0 : index
    %swap3A_61 = arith.constant 0 : index
    %swap3A_62 = vector.load %arg7[%swap3A_59, %swap3A_60, %swap3A_61] : memref<16x8x128xf32, #tpu.memory_space<vmem>>, vector<16x8x128xf32>
    tpu.vector_store %arg7[%swap3A_59, %swap3A_60, %swap3A_61], %reshape3A {strides = array<i32>} : memref<16x8x128xf32, #tpu.memory_space<vmem>>, vector<16x8x128xf32>,
    %reshape3A_63 = vector.shape_cast %add3A_44 : vector<512xi32> to vector<4x128xi32>
    %reshape3A_64 = vector.shape_cast %add3A_44 : vector<512xi32> to vector<4x128xi32>
    %concatenate3A = tpu.concatenate %reshape3A_63, %reshape3A_64 in 0 : vector<4x128xi32>, vector<4x128xi32> -> vector<8x128xi32>
    %convert_element_type3A = arith.extui %reduce_or3A_58 : vector<512xi1> to vector<512xi32>
    %reshape3A_65 = vector.shape_cast %convert_element_type3A : vector<512xi32> to vector<4x128xi32>
    %reshape3A_66 = vector.shape_cast %convert_element_type3A : vector<512xi32> to vector<4x128xi32>
    %concatenate3A_67 = tpu.concatenate %reshape3A_65, %reshape3A_66 in 0 : vector<4x128xi32>, vector<4x128xi32> -> vector<8x128xi32>
    %iota3A_68 = tpu.iota {dimensions = array<i32: 0>} : vector<16x8x128xi32>
    %mul3A_69 = arith.constant 2 : i32
    %mul3A_70 = vector.broadcast %mul3A_69 : i32 to vector<16x8x128xi32>
    %mul3A_71 = arith.muli %mul3A_70, %iota3A_68 : vector<16x8x128xi32>
    %iota3A_72 = tpu.iota {dimensions = array<i32: 1>} : vector<16x8x128xi32>
    %jit3A_73 = arith.constant 4 : i32
    %div3A = vector.broadcast %jit3A_73 : i32 to vector<16x8x128xi32>
    %div3A_74 = arith.divsi %iota3A_72, %div3A : vector<16x8x128xi32>
    %sign3A = arith.constant 0 : i32
    %sign3A_75 = vector.broadcast %sign3A : i32 to vector<16x8x128xi32>
    %sign3A_76 = arith.cmpi sgt, %iota3A_72, %sign3A_75 : vector<16x8x128xi32>
    %sign3A_77 = arith.extui %sign3A_76 : vector<16x8x128xi1> to vector<16x8x128xi32>
    %sign3A_78 = arith.constant 0 : i32
    %sign3A_79 = vector.broadcast %sign3A_78 : i32 to vector<16x8x128xi32>
    %sign3A_80 = arith.cmpi slt, %iota3A_72, %sign3A_79 : vector<16x8x128xi32>
    %sign3A_81 = arith.extui %sign3A_80 : vector<16x8x128xi1> to vector<16x8x128xi32>
    %sign3A_82 = arith.subi %sign3A_77, %sign3A_81 : vector<16x8x128xi32>
    %sign3A_83 = arith.constant 0 : i32
    %sign3A_84 = arith.cmpi sgt, %jit3A_73, %sign3A_83 : i32
    %sign3A_85 = arith.extui %sign3A_84 : i1 to i32
    %sign3A_86 = arith.constant 0 : i32
    %sign3A_87 = arith.cmpi slt, %jit3A_73, %sign3A_86 : i32
    %sign3A_88 = arith.extui %sign3A_87 : i1 to i32
    %sign3A_89 = arith.subi %sign3A_85, %sign3A_88 : i32
    %ne3A = vector.broadcast %sign3A_89 : i32 to vector<16x8x128xi32>
    %ne3A_90 = arith.cmpi ne, %sign3A_82, %ne3A : vector<16x8x128xi32>
    %rem3A = vector.broadcast %jit3A_73 : i32 to vector<16x8x128xi32>
    %rem3A_91 = arith.remsi %iota3A_72, %rem3A : vector<16x8x128xi32>
    %ne3A_92 = arith.constant 0 : i32
    %ne3A_93 = vector.broadcast %ne3A_92 : i32 to vector<16x8x128xi32>
    %ne3A_94 = arith.cmpi ne, %rem3A_91, %ne3A_93 : vector<16x8x128xi32>
    %and3A_95 = arith.andi %ne3A_90, %ne3A_94 : vector<16x8x128xi1>
    %sub3A = arith.constant 1 : i32
    %sub3A_96 = vector.broadcast %sub3A : i32 to vector<16x8x128xi32>
    %sub3A_97 = arith.subi %div3A_74, %sub3A_96 : vector<16x8x128xi32>
    %select_n3A = arith.select %and3A_95, %sub3A_97, %div3A_74 : vector<16x8x128xi1>, vector<16x8x128xi32>
    %add3A_98 = arith.addi %mul3A_71, %select_n3A : vector<16x8x128xi32>
    %broadcast_in_dim3A_99 = vector.shape_cast %concatenate3A_67 : vector<8x128xi32> to vector<1x8x128xi32>
    %gt3A_100 = arith.constant 0 : i32
    %gt3A_101 = vector.broadcast %gt3A_100 : i32 to vector<1x8x128xi32>
    %gt3A_102 = arith.cmpi sgt, %broadcast_in_dim3A_99, %gt3A_101 : vector<1x8x128xi32>
    %add3A_103 = arith.constant 524288 : i32
    %add3A_104 = vector.broadcast %add3A_103 : i32 to vector<16x8x128xi32>
    %add3A_105 = arith.addi %add3A_104, %add3A_98 : vector<16x8x128xi32>
    %broadcast_in_dim3A_106 = vector.shape_cast %concatenate3A : vector<8x128xi32> to vector<1x8x128xi32>
    %mul3A_107 = arith.constant 16384 : i32
    %mul3A_108 = vector.broadcast %mul3A_107 : i32 to vector<16x8x128xi32>
    %mul3A_109 = arith.muli %add3A_98, %mul3A_108 : vector<16x8x128xi32>
    %add3A_110 = vector.broadcast %broadcast_in_dim3A_106 : vector<1x8x128xi32> to vector<16x8x128xi32>
    %add3A_111 = arith.addi %add3A_110, %mul3A_109 : vector<16x8x128xi32>
    %broadcast_in_dim3A_112 = vector.shape_cast %gt3A_102 : vector<1x8x128xi1> to vector<1x8x128xi1>
    %broadcast_in_dim3A_113 = vector.broadcast %broadcast_in_dim3A_112 : vector<1x8x128xi1> to vector<16x8x128xi1>
    %select_n3A_114 = arith.select %broadcast_in_dim3A_113, %add3A_105, %add3A_111 : vector<16x8x128xi1>, vector<16x8x128xi32>
    %swap3A_115 = arith.constant 0 : index
    %swap3A_116 = arith.constant 0 : index
    %swap3A_117 = arith.constant 0 : index
    %swap3A_118 = vector.load %arg8[%swap3A_115, %swap3A_116, %swap3A_117] : memref<16x8x128xi32, #tpu.memory_space<vmem>>, vector<16x8x128xi32>
    tpu.vector_store %arg8[%swap3A_115, %swap3A_116, %swap3A_117], %select_n3A_114 {strides = array<i32>} : memref<16x8x128xi32, #tpu.memory_space<vmem>>, vector<16x8x128xi32>,
    return
  }
  func.func @transform_0(%arg0: i32) -> (i32, i32, i32) {
    %c0_i32 = arith.constant 0 : i32
    %c0_i32_0 = arith.constant 0 : i32
    %c0_i32_1 = arith.constant 0 : i32
    return %arg0, %c0_i32, %c0_i32_0 : i32, i32, i32
  }
  func.func @transform_1(%arg0: i32) -> (i32, i32, i32) {
    %c0_i32 = arith.constant 0 : i32
    %c0_i32_0 = arith.constant 0 : i32
    %c0_i32_1 = arith.constant 0 : i32
    return %arg0, %c0_i32, %c0_i32_0 : i32, i32, i32
  }
  func.func @transform_2(%arg0: i32) -> (i32, i32, i32) {
    %c0_i32 = arith.constant 0 : i32
    %c0_i32_0 = arith.constant 0 : i32
    %c0_i32_1 = arith.constant 0 : i32
    return %arg0, %c0_i32, %c0_i32_0 : i32, i32, i32
  }
  func.func @transform_3(%arg0: i32) -> (i32, i32) {
    %c0_i32 = arith.constant 0 : i32
    %c0_i32_0 = arith.constant 0 : i32
    %c0_i32_1 = arith.constant 0 : i32
    return %c0_i32, %c0_i32_0 : i32, i32
  }
  func.func @transform_4(%arg0: i32) -> (i32, i32, i32) {
    %c0_i32 = arith.constant 0 : i32
    %c0_i32_0 = arith.constant 0 : i32
    %c0_i32_1 = arith.constant 0 : i32
    %c0_i32_2 = arith.constant 0 : i32
    return %c0_i32, %c0_i32_0, %c0_i32_1 : i32, i32, i32
  }
  func.func @transform_5(%arg0: i32) -> (i32, i32, i32, i32) {
    %c0_i32 = arith.constant 0 : i32
    %c0_i32_0 = arith.constant 0 : i32
    %c0_i32_1 = arith.constant 0 : i32
    %c0_i32_2 = arith.constant 0 : i32
    %c0_i32_3 = arith.constant 0 : i32
    return %c0_i32, %c0_i32_0, %c0_i32_1, %c0_i32_2 : i32, i32, i32, i32
  }
  func.func @transform_6(%arg0: i32) -> (i32, i32, i32) {
    %c0_i32 = arith.constant 0 : i32
    %c0_i32_0 = arith.constant 0 : i32
    %c0_i32_1 = arith.constant 0 : i32
    return %arg0, %c0_i32, %c0_i32_0 : i32, i32, i32
  }
  func.func @transform_7(%arg0: i32) -> (i32, i32, i32) {
    %c0_i32 = arith.constant 0 : i32
    %c0_i32_0 = arith.constant 0 : i32
    %c0_i32_1 = arith.constant 0 : i32
    return %arg0, %c0_i32, %c0_i32_0 : i32, i32, i32
  }
}

</mosaic_0001>

<sc_bundles>
// kernel: kernel.4.cloned.1.call-start
scs
__scs_entry_jumppad:
0x0: {  	(pc) =	sbr.rel $0x88, $3  }
0x1: {  	(tag) =	ssettag $0x0;
	lr =	simm.s32 $0x1  }
0x2: {  	[smem:$0x3F9C] =	sst lr;
	_ =	strace $0xD0000000  }
0x3: {  	_ = 	snop  }
0x4: {  	_ = 	snop  }
0x5: {  	_ = 	snop  }
0x6: {  	_ = 	snop  }
0x7: {  	_ = 	snop  }
__scs_overlays_trampoline_lowered:
0x8: {  	[smem:$0x3FAB] =	sst s0  }
0x9: {  	[smem:$0x3FAC] =	sst s1  }
0xa: {  	[smem:$0x3FAD] =	sst s2  }
0xb: {  	[smem:$0x3FAE] =	sst s3  }
0xc: {  	[smem:$0x3FAF] =	sst s4  }
0xd: {  	[smem:$0x3FB0] =	sst s5  }
0xe: {  	[smem:$0x3FB1] =	sst s6  }
0xf: {  	[smem:$0x3FB2] =	sst s7  }
0x10: {  	[smem:$0x3FB3] =	sst s8  }
0x11: {  	[smem:$0x3FB4] =	sst s9;
	s0 =	simm.s32 @!p0 $0x0  }
0x12: {  	s1 =	sld [smem:$0x3F9A];
	s0 =	simm.s32 @p0 $0x1  }
0x13: {  	[smem:$0x3FB5] =	sst s0;
	s0 =	simm.s32 @!p1 $0x0  }
0x14: {  	s2 =	sld [smem:$0x3F99];
	s0 =	simm.s32 @p1 $0x1  }
0x15: {  	[smem:$0x3FB6] =	sst s0;
	s0 =	simm.s32 @!p2 $0x0  }
0x16: {  	s3 =	sld [smem:$0x3FDB];
	s0 =	simm.s32 @p2 $0x1  }
0x17: {  	s4 =	simm.s32 $0x1BF5;
	[smem:$0x3FB8] =	sst s0  }
0x18: {  	s0 =	sld [smem:$0x3F9B];
	_ =	swait.ge [sflag:s4], $0x0  }
0x19: {  	s7 =	sld [smem:$0x3F9C]  }
0x1a: {  	s8 =	sadd.s32 $0xFFFFE003, lr  }
0x1b: {  	s9 =	sadd.s32 $0xFFFFFEF7, lr;
	s5 =	simm.s32 $0xFFFFFFFF;
	p2 =	slt.u32 s8, $0xFFFFF086  }
0x1c: {  	p1 =	slt.u32 s9, $0xF7A;
	s5 =	simm.s32 @!p2 $0x0  }
0x1d: {  	s5 =	simm.s32 @p1 $0x1;
	p0 =	seq.s32 s7, s2  }
0x1e: {  	s7 =	smul.u32 @!p0 $0xF7A, s2;
	p2 =	seq.s32 @!p0 s5, $0x0  }
0x1f: {  	s9 =	smul.u32 $0xF7A, s1;
	s8 =	simm.s32 @!p0 $0x1BF5;
	p2 =	por !p2, p0  }
0x20: {  	[sflag:s8] =	ssyncset.s32 @!p0 $0xFFFFF086;
	s6 =	sadd.s32 @!p0 s3, s7;
	s7 =	simm.s32 @!p0 $0x108  }
0x21: {  	s3 =	sadd.s32 s3, s9;
	s6 =	sadd.s32 @!p0 $0x88, s6;
	s7 =	simm.s32 @p2 $0x1082  }
0x22: {  	[simem:s7], [sflag:s8] =	dma.local @!p0 [hbm:s6], $0xF7A  }
0x23: {  	s9 =	sor.u32 $0xD0000000, s2;
	s6 =	simm.s32 $0x108;
	_ =	swait.ge @!p0 [sflag:s8], $0x0  }
0x24: {  	s3 =	sadd.s32 $0x88, s3;
	s6 =	simm.s32 @!p1 $0x1082;
	[sflag:s4] =	ssyncset.s32 $0xFFFFF086  }
0x25: {  	[simem:s6], [sflag:s4] =	dma.local [hbm:s3], $0xF7A  }
0x26: {  	[smem:$0x3F9C] =	sst s1;
	(tag) =	ssettag s2;
	_ =	strace s9  }
0x27: {  	s1 =	sld [smem:$0x3FAC]  }
0x28: {  	s2 =	sld [smem:$0x3FAD]  }
0x29: {  	s4 =	sld [smem:$0x3FAF]  }
0x2a: {  	p0 =	seq.s32 s5, $0x0;
	s5 =	sld [smem:$0x3FB0]  }
0x2b: {  	s6 =	sld [smem:$0x3FB1]  }
0x2c: {  	s7 =	sld [smem:$0x3FB2]  }
0x2d: {  	s3 =	simm.s32 $0x108;
	s8 =	sld [smem:$0x3FB3]  }
0x2e: {  	s3 =	simm.s32 @!p0 $0x1082;
	s9 =	sld [smem:$0x3FB4]  }
0x2f: {  	lr =	sadd.s32 s0, s3;
	s0 =	sld [smem:$0x3FAB]  }
0x30: {  	s3 =	sld [smem:$0x3FAE]  }
0x31: {  	[smem:$0x3FB7] =	sst s10  }
0x32: {  	s10 =	sld [smem:$0x3FB5];
	_ =	sdelay $0x3  }
0x33: {  	p0 =	seq.s32 s10, $0x1;
	s10 =	sld [smem:$0x3FB7];
	_ =	sdelay $0x3  }
0x34: {  	[smem:$0x3FB7] =	sst s10  }
0x35: {  	s10 =	sld [smem:$0x3FB6];
	_ =	sdelay $0x3  }
0x36: {  	p1 =	seq.s32 s10, $0x1;
	s10 =	sld [smem:$0x3FB7];
	_ =	sdelay $0x3  }
0x37: {  	[smem:$0x3FB7] =	sst s10  }
0x38: {  	s10 =	sld [smem:$0x3FB8]  }
0x39: {  	_ = 	snop;
	(pc) =	sbr.ind lr, $3  }
0x3a: {  	_ = 	snop  }
0x3b: {  	_ = 	snop  }
0x3c: {  	p2 =	seq.s32 s10, $0x1;
	s10 =	sld [smem:$0x3FB7]  }
0x3d: {  	_ =	shalt  }
0x3e: {  	_ =	shalt  }
0x3f: {  	_ =	shalt  }
0x40: {  	_ =	shalt  }
0x41: {  	_ =	shalt  }
0x42: {  	_ =	shalt  }
0x43: {  	_ =	shalt  }
0x44: {  	_ =	shalt  }
0x45: {  	_ =	shalt  }
0x46: {  	_ =	shalt  }
0x47: {  	_ =	shalt  }
0x48: {  	_ =	shalt  }
0x49: {  	_ =	shalt  }
0x4a: {  	_ =	shalt  }
0x4b: {  	_ =	shalt  }
0x4c: {  	_ =	shalt  }
0x4d: {  	_ =	shalt  }
0x4e: {  	_ =	shalt  }
0x4f: {  	_ =	shalt  }
0x50: {  	_ =	shalt  }
0x51: {  	_ =	shalt  }
0x52: {  	_ =	shalt  }
0x53: {  	_ =	shalt  }
0x54: {  	_ =	shalt  }
0x55: {  	_ =	shalt  }
0x56: {  	_ =	shalt  }
0x57: {  	_ =	shalt  }
0x58: {  	_ =	shalt  }
0x59: {  	_ =	shalt  }
0x5a: {  	_ =	shalt  }
0x5b: {  	_ =	shalt  }
0x5c: {  	_ =	shalt  }
0x5d: {  	_ =	shalt  }
0x5e: {  	_ =	shalt  }
0x5f: {  	_ =	shalt  }
0x60: {  	_ =	shalt  }
0x61: {  	_ =	shalt  }
0x62: {  	_ =	shalt  }
0x63: {  	_ =	shalt  }
0x64: {  	_ =	shalt  }
0x65: {  	_ =	shalt  }
0x66: {  	_ =	shalt  }
0x67: {  	_ =	shalt  }
0x68: {  	_ =	shalt  }
0x69: {  	_ =	shalt  }
0x6a: {  	_ =	shalt  }
0x6b: {  	_ =	shalt  }
0x6c: {  	_ =	shalt  }
0x6d: {  	_ =	shalt  }
0x6e: {  	_ =	shalt  }
0x6f: {  	_ =	shalt  }
0x70: {  	_ =	shalt  }
0x71: {  	_ =	shalt  }
0x72: {  	_ =	shalt  }
0x73: {  	_ =	shalt  }
0x74: {  	_ =	shalt  }
0x75: {  	_ =	shalt  }
0x76: {  	_ =	shalt  }
0x77: {  	_ =	shalt  }
0x78: {  	_ =	shalt  }
0x79: {  	_ =	shalt  }
0x7a: {  	_ =	shalt  }
0x7b: {  	_ =	shalt  }
0x7c: {  	_ =	shalt  }
0x7d: {  	_ =	shalt  }
0x7e: {  	_ =	shalt  }
0x7f: {  	_ =	shalt  }
0x80: {  	_ =	shalt  }
0x81: {  	_ =	shalt  }
0x82: {  	_ =	shalt  }
0x83: {  	_ =	shalt  }
0x84: {  	_ =	shalt  }
0x85: {  	_ =	shalt  }
0x86: {  	_ =	shalt  }
0x87: {  	_ =	shalt  }
.Lfunc_end0:
.L_simem_size_0:
called_computation_lowered:
.L_overlay_start_0:
0x88: {  	s2 =	sld [smem:$0x3FD9]  }
0x89: {  	s3 =	sld [smem:$0x3FFE];
	_ =	sdelay $0x1  }
0x8a: {  	s1 =	srdreg.scid  }
0x8b: {  	s0 =	sand.u32 $0x1, s1  }
0x8c: {  	s17 =	sshll.u32 s0, $0xA;
	s2 =	sadd.s32 s3, s2  }
0x8d: {  	s2 =	sadd.s32 s2, s17  }
0x8e: {  	[smem:$0x3FC3] =	sst s2  }
0x8f: {  	_ = 	snop  }
0x90: {  	s2 =	sld [smem:$0x3FC9]  }
0x91: {  	s18 =	sld [smem:$0x3FD0];
	(tm) =	ssettm $0x1  }
0x92: {  	s4 =	sld [smem:$0x3FFB];
	_ =	sdelay $0x3  }
0x93: {  	_ =	strace s4  }
0x94: {  	s4 =	sld [smem:$0x3FFC];
	_ =	sdelay $0x3  }
0x95: {  	_ =	strace s4  }
0x96: {  	s4 =	sld [smem:$0x3FFD];
	_ =	sdelay $0x3  }
0x97: {  	_ =	strace s4  }
0x98: {  	_ =	strace $0x8FFFFFFF  }
0x99: {  	s19 =	sld [smem:$0x3FDB];
	_ =	sdelay $0x1  }
0x9a: {  	s5 =	simm.s32 $_scs_section_size  }
0x9b: {  	s6 =	simm.s32 $_size__tile_overlayer_lowered;
	s7 =	simm.s32 $_tile_overlayer_lowered  }
0x9c: {  	s22 =	simm.s32 $0x1BFF;
	s21 =	sshll.u32 s7, $0x1;
	s4 =	sadd.s32 s5, s19  }
0x9d: {  	s8 =	simm.s32 $0x0;
	s20 =	sshll.u32 s6, $0x1;
	s6 =	sadd.s32 s21, s4  }
0x9e: {  	[timem:s8], [sflag:s22] =	dma.local [hbm:s6], s20  }
0x9f: {  	_ =	swait.ge [sflag:s22], s20  }
0xa0: {  	s5 =	ssub.s32 $0x0, s20;
	[sflag:s22] =	ssyncset.done $0x0  }
0xa1: {  	[sflag:s22] =	ssyncadd.s32 s5;
	_ =	sdelay $0x1  }
0xa2: {  	s23 =	simm.s32 $0x1B8B  }
0xa3: {  	_ =	swait.ge [sflag:s23], $0x1  }
0xa4: {  	[sflag:s23] =	ssyncset.done $0x0  }
0xa5: {  	s25 =	simm.s32 $0x1B8E;
	s24 =	sld [smem:$0x3FFE];
	[sflag:s23] =	ssyncadd.s32 $0xFFFFFFFF  }
0xa6: {  	s26 =	simm.s32 $execute0_lowered;
	[smem:$0x3FD2] =	sst s25  }
0xa7: {  	s6 =	sshll.u32 s26, $0x1;
	_ =	strace $0x80000046;
	[dreg:$0x1] =	wrdreg $0xFFFFFFFF  }
0xa8: {  	s28 =	simm.s32 $_size_execute0_lowered;
	s4 =	sadd.s32 s4, s6;
	[dreg:$0x0] =	wrdreg $0x0  }
0xa9: {  	s6 =	sshll.u32 s28, $0x1;
	[dreg:$0x2] =	wrdreg s4  }
0xaa: {  	[dreg:$0x3] =	wrdreg s6  }
0xab: {  	[dreg:$0x4] =	wrdreg $0xC0  }
0xac: {  	_ =	task [dreg:s8], $0x5FFFF  }
0xad: {  	[dreg:$0x1] =	wrdreg $0xFFFFFFFF  }
0xae: {  	[dreg:$0x0] =	wrdreg $0x60  }
0xaf: {  	[dreg:$0x2] =	wrdreg s24  }
0xb0: {  	[dreg:$0x3] =	wrdreg s2  }
0xb1: {  	[dreg:$0x4] =	wrdreg s18  }
0xb2: {  	[dreg:$0x5] =	wrdreg $0x0  }
0xb3: {  	[dreg:$0x6] =	wrdreg $0x80080  }
0xb4: {  	[dreg:$0x7] =	wrdreg $0x9  }
0xb5: {  	_ =	task.clear_ibuf [dreg:s8], $0x8FFFF;
	_ =	strace $0x90000046  }
0xb6: {  	s29 =	simm.s32 $0x9;
	_ =	strace $0x80000048  }
0xb7: {  	_ =	swait.ge [sflag:s29], $0x1  }
0xb8: {  	[sflag:s29] =	ssyncadd.s32 $0xFFFFFFFF  }
0xb9: {  	_ =	strace $0x90000048  }
0xba: {  	_ =	sfence  }
0xbb: {  	s30 =	sld [smem:$0x0];
	_ =	sdelay $0x2  }
0xbc: {  	s31 =	sshll.u32 s1, $0xD;
	s1 =	sshrl.u32 s1, $0x2  }
0xbd: {  	s3 =	sand.u32 $0x4000, s31;
	s1 =	sadd.s32 s1, s30  }
0xbe: {  	s0 =	sor.u32 s3, s0;
	s1 =	sshll.u32 s1, $0x11  }
0xbf: {  	s0 =	sor.u32 s1, s0  }
0xc0: {  	s0 =	sadd.s32 $0x8F2B, s0  }
0xc1: {  	[sflag:s0] =	ssyncadd.remote.s32 $0x1  }
0xc2: {  	_ =	sfence.sel $0xFFFF  }
0xc3: {  	[dreg:$0x0] =	wrdreg $0xFFFFFFFF;
	(pc) =	sbr.abs _section_cstart, $3  }
0xc4: {  	[dreg:$0x1] =	wrdreg $0xFFFFFFFF  }
0xc5: {  	_ =	task.clear_ibuf [dreg:s8], $0x2FFFF;
	_ =	strace $0x9FFFFFFF  }
0xc6: {  	(tm) =	ssettm $0x7FFFFFFF  }
0xc7: {  	_ =	shalt  }
tec
execute0_lowered:
.L_overlay_start_1:
0x0: {  	(tag) =	ssettag $0x1  }
0x1: {  	s0 =	rddreg [dreg:$0x0]  }
0x2: {  	s2 =	rddreg [dreg:$0x2]  }
0x3: {  	s3 =	rddreg [dreg:$0x3]  }
0x4: {  	s4 =	rddreg [dreg:$0x4];
	s5 =	simm.s32 $0x0;
	s1 =	srdreg.scid  }
0x5: {  	s10 =	stileid.u32;
	[smem:$0x7FF] =	sst s5;
	s1 =	sand.u32 $0x1, s1  }
0x6: {  	s16 =	sshll.u32 s10, $0xF;
	s6 =	ssub.s32 $0x2, s1;
	s1 =	sshll.u32 s1, $0x3  }
0x7: {  	_ =	strace $0x80000047;
	s17 =	sadd.s32 s16, s3;
	[dreg:$0x7] =	wrdreg s1  }
0x8: {  	s18 =	sadd.s32 $0x800, s17;
	[dreg:$0x6] =	wrdreg s17  }
0x9: {  	s19 =	sadd.s32 $0x1000, s17;
	[dreg:$0x9] =	wrdreg s18  }
0xa: {  	s20 =	sadd.s32 $0x1800, s17;
	[dreg:$0xa] =	wrdreg s19  }
0xb: {  	s21 =	sadd.s32 $0x2000, s17;
	[dreg:$0xb] =	wrdreg s20  }
0xc: {  	s22 =	sadd.s32 $0x2800, s17;
	[dreg:$0xc] =	wrdreg s21  }
0xd: {  	s23 =	sadd.s32 $0x3000, s17;
	[dreg:$0xd] =	wrdreg s22  }
0xe: {  	s24 =	sadd.s32 $0x3800, s17;
	[dreg:$0xe] =	wrdreg s23  }
0xf: {  	s25 =	sadd.s32 $0x4000, s17;
	[dreg:$0xf] =	wrdreg s24  }
0x10: {  	s26 =	sadd.s32 $0x4800, s17;
	[dreg:$0x10] =	wrdreg s25  }
0x11: {  	s28 =	sadd.s32 $0x5000, s17;
	[dreg:$0x11] =	wrdreg s26  }
0x12: {  	s12 =	sshll.u32 s10, $0x7;
	s29 =	sadd.s32 $0x5800, s17;
	[dreg:$0x12] =	wrdreg s28  }
0x13: {  	s13 =	smul.u32 $0x5000, s10;
	s30 =	sadd.s32 $0x6000, s17;
	[dreg:$0x13] =	wrdreg s29  }
0x14: {  	s11 =	sadd.s32 s16, s4;
	s1 =	sadd.s32 $0x6800, s17;
	[dreg:$0x14] =	wrdreg s30  }
0x15: {  	s14 =	sadd.s32 $0x50000, s16;
	s10 =	sadd.s32 $0x7800, s17;
	[dreg:$0x15] =	wrdreg s1  }
0x16: {  	s9 =	sshrl.u32 s6, $0x1;
	s16 =	sadd.s32 $0x1000, s11;
	[dreg:$0x17] =	wrdreg s10  }
0x17: {  	s15 =	ssub.s32 s6, s9;
	s6 =	sadd.s32 $0x7000, s17;
	[dreg:$0x19] =	wrdreg s16  }
0x18: {  	s17 =	sadd.s32 $0x1800, s11;
	[dreg:$0x16] =	wrdreg s6  }
0x19: {  	s18 =	sadd.s32 $0x2000, s11;
	[dreg:$0x1a] =	wrdreg s17  }
0x1a: {  	s19 =	sadd.s32 $0x2800, s11;
	[dreg:$0x1b] =	wrdreg s18  }
0x1b: {  	s20 =	sadd.s32 $0x3000, s11;
	[dreg:$0x1c] =	wrdreg s19  }
0x1c: {  	s21 =	sadd.s32 $0x3800, s11;
	[dreg:$0x1d] =	wrdreg s20  }
0x1d: {  	s31 =	simm.s32 $0x9;
	s22 =	sadd.s32 $0x4000, s11;
	[dreg:$0x1e] =	wrdreg s21  }
0x1e: {  	s7 =	sadd.s32 $0x1000, s0;
	s23 =	sadd.s32 $0x4800, s11;
	[dreg:$0x1f] =	wrdreg s22  }
0x1f: {  	s8 =	sadd.s32 $0x9000, s0;
	s24 =	sadd.s32 $0x5000, s11;
	[smem:$0x7F7] =	sst s23  }
0x20: {  	s25 =	sadd.s32 $0x5800, s11;
	s26 =	sadd.s32 $0x6000, s11;
	[smem:$0x7F8] =	sst s24  }
0x21: {  	s28 =	sadd.s32 $0x6800, s11;
	s29 =	sadd.s32 $0x7000, s11;
	[smem:$0x7F9] =	sst s25  }
0x22: {  	s30 =	sadd.s32 $0x7800, s11;
	s16 =	simm.s32 $0x80;
	[smem:$0x7FA] =	sst s26  }
0x23: {  	s9 =	simm.s32 $0x0;
	s0 =	smax.u32 s15, $0x1;
	[smem:$0x7FB] =	sst s28  }
0x24: {  	s15 =	sadd.s32 $0x800, s11;
	[smem:$0x7FC] =	sst s29;
	s19 =	smov.u32 s11  }
0x25: {  	[smem:$0x7FD] =	sst s30;
	s20 =	simm.s32 $0x11210;
	s21 =	simm.s32 $0x11290  }
0x26: {  	s22 =	simm.s32 $0x11310;
	s23 =	simm.s32 $0x11390;
	s24 =	simm.s32 $0x8  }
0x27: {  	s25 =	simm.s32 $0x3;
	s26 =	simm.s32 $0x4;
	[dreg:$0x8] =	wrdreg s0  }
0x28: {  	v0 =	vimm.f32 $0.0e+00;
	[dreg:$0x18] =	wrdreg s15;
	s0 =	simm.s32 $0x11010;
	s15 =	simm.s32 $0x7  }
.LBB2_1:
0x29: {  	[smem:$0x7F6] =	sst s9;
	s1 =	simm.s32 $0x40;
	s6 =	simm.s32 $0x0  }
.LBB2_2:
0x2a: {  	p0 =	sne.s32 s1, $0x1FC0;
	[tilespmem:s6+$0x1B410] =	vst v0;
	s6 =	smov.u32 s1;
	s1 =	sadd.s32 $0x40, s1  }
.Ltmp0:
0x2b: {  	(pc) =	sbr.rel @p0 .LBB2_2-.Ltmp0, $2  }
0x2c: {  	_ =	sdelay $0x2  }
0x2d: {  	s6 =	sshra.s32 s6, $0x2  }
0x2e: {  	[tilespmem:s6+$0x1B410] =	vst v0;
	s1 =	rddreg [dreg:$0x6];
	s6 =	simm.s32 $0x1B410  }
0x2f: {  	[spmem:s1] =	stream.linear.scatter [tilespmem:s6], [sflag:$0x9], $0x800, $0x38;
	[tilespmem:$0x1BC10] =	vst v63  }
0x30: {  	_ =	swait.ge [sflag:s31], $0x800  }
0x31: {  	[sflag:s31] =	ssyncset.done $0x0  }
0x32: {  	s28 =	rddreg [dreg:$0x9];
	[sflag:s31] =	ssyncadd.s32 $0xFFFFF800  }
0x33: {  	[spmem:s28] =	stream.linear.scatter [tilespmem:s6], [sflag:$0x9], $0x800, $0x38;
	[tilespmem:$0x1BC10] =	vst v63  }
0x34: {  	_ =	swait.ge [sflag:s31], $0x800  }
0x35: {  	[sflag:s31] =	ssyncset.done $0x0  }
0x36: {  	s30 =	rddreg [dreg:$0xa];
	[sflag:s31] =	ssyncadd.s32 $0xFFFFF800  }
0x37: {  	[spmem:s30] =	stream.linear.scatter [tilespmem:s6], [sflag:$0x9], $0x800, $0x38;
	[tilespmem:$0x1BC10] =	vst v63  }
0x38: {  	_ =	swait.ge [sflag:s31], $0x800  }
0x39: {  	[sflag:s31] =	ssyncset.done $0x0  }
0x3a: {  	s9 =	rddreg [dreg:$0xb];
	[sflag:s31] =	ssyncadd.s32 $0xFFFFF800  }
0x3b: {  	[spmem:s9] =	stream.linear.scatter [tilespmem:s6], [sflag:$0x9], $0x800, $0x38;
	[tilespmem:$0x1BC10] =	vst v63  }
0x3c: {  	_ =	swait.ge [sflag:s31], $0x800  }
0x3d: {  	[sflag:s31] =	ssyncset.done $0x0  }
0x3e: {  	s10 =	rddreg [dreg:$0xc];
	[sflag:s31] =	ssyncadd.s32 $0xFFFFF800  }
0x3f: {  	[spmem:s10] =	stream.linear.scatter [tilespmem:s6], [sflag:$0x9], $0x800, $0x38;
	[tilespmem:$0x1BC10] =	vst v63  }
0x40: {  	_ =	swait.ge [sflag:s31], $0x800  }
0x41: {  	[sflag:s31] =	ssyncset.done $0x0  }
0x42: {  	s11 =	rddreg [dreg:$0xd];
	[sflag:s31] =	ssyncadd.s32 $0xFFFFF800  }
0x43: {  	[spmem:s11] =	stream.linear.scatter [tilespmem:s6], [sflag:$0x9], $0x800, $0x38;
	[tilespmem:$0x1BC10] =	vst v63  }
0x44: {  	_ =	swait.ge [sflag:s31], $0x800  }
0x45: {  	[sflag:s31] =	ssyncset.done $0x0  }
0x46: {  	s17 =	rddreg [dreg:$0xe];
	[sflag:s31] =	ssyncadd.s32 $0xFFFFF800  }
0x47: {  	[spmem:s17] =	stream.linear.scatter [tilespmem:s6], [sflag:$0x9], $0x800, $0x38;
	[tilespmem:$0x1BC10] =	vst v63  }
0x48: {  	_ =	swait.ge [sflag:s31], $0x800  }
0x49: {  	[sflag:s31] =	ssyncset.done $0x0  }
0x4a: {  	s18 =	rddreg [dreg:$0xf];
	[sflag:s31] =	ssyncadd.s32 $0xFFFFF800  }
0x4b: {  	[spmem:s18] =	stream.linear.scatter [tilespmem:s6], [sflag:$0x9], $0x800, $0x38;
	[tilespmem:$0x1BC10] =	vst v63  }
0x4c: {  	_ =	swait.ge [sflag:s31], $0x800  }
0x4d: {  	[sflag:s31] =	ssyncset.done $0x0  }
0x4e: {  	s28 =	rddreg [dreg:$0x10];
	[sflag:s31] =	ssyncadd.s32 $0xFFFFF800  }
0x4f: {  	[spmem:s28] =	stream.linear.scatter [tilespmem:s6], [sflag:$0x9], $0x800, $0x38;
	[tilespmem:$0x1BC10] =	vst v63  }
0x50: {  	_ =	swait.ge [sflag:s31], $0x800  }
0x51: {  	[sflag:s31] =	ssyncset.done $0x0  }
0x52: {  	s30 =	rddreg [dreg:$0x11];
	[sflag:s31] =	ssyncadd.s32 $0xFFFFF800  }
0x53: {  	[spmem:s30] =	stream.linear.scatter [tilespmem:s6], [sflag:$0x9], $0x800, $0x38;
	[tilespmem:$0x1BC10] =	vst v63  }
0x54: {  	_ =	swait.ge [sflag:s31], $0x800  }
0x55: {  	[sflag:s31] =	ssyncset.done $0x0  }
0x56: {  	s9 =	rddreg [dreg:$0x12];
	[sflag:s31] =	ssyncadd.s32 $0xFFFFF800  }
0x57: {  	[spmem:s9] =	stream.linear.scatter [tilespmem:s6], [sflag:$0x9], $0x800, $0x38;
	[tilespmem:$0x1BC10] =	vst v63  }
0x58: {  	_ =	swait.ge [sflag:s31], $0x800  }
0x59: {  	[sflag:s31] =	ssyncset.done $0x0  }
0x5a: {  	s10 =	rddreg [dreg:$0x13];
	[sflag:s31] =	ssyncadd.s32 $0xFFFFF800  }
0x5b: {  	[spmem:s10] =	stream.linear.scatter [tilespmem:s6], [sflag:$0x9], $0x800, $0x38;
	[tilespmem:$0x1BC10] =	vst v63  }
0x5c: {  	_ =	swait.ge [sflag:s31], $0x800  }
0x5d: {  	[sflag:s31] =	ssyncset.done $0x0  }
0x5e: {  	s11 =	rddreg [dreg:$0x14];
	[sflag:s31] =	ssyncadd.s32 $0xFFFFF800  }
0x5f: {  	[spmem:s11] =	stream.linear.scatter [tilespmem:s6], [sflag:$0x9], $0x800, $0x38;
	[tilespmem:$0x1BC10] =	vst v63  }
0x60: {  	_ =	swait.ge [sflag:s31], $0x800  }
0x61: {  	[sflag:s31] =	ssyncset.done $0x0  }
0x62: {  	s17 =	rddreg [dreg:$0x15];
	[sflag:s31] =	ssyncadd.s32 $0xFFFFF800  }
0x63: {  	[spmem:s17] =	stream.linear.scatter [tilespmem:s6], [sflag:$0x9], $0x800, $0x38;
	[tilespmem:$0x1BC10] =	vst v63  }
0x64: {  	_ =	swait.ge [sflag:s31], $0x800  }
0x65: {  	[sflag:s31] =	ssyncset.done $0x0  }
0x66: {  	s18 =	rddreg [dreg:$0x16];
	[sflag:s31] =	ssyncadd.s32 $0xFFFFF800  }
0x67: {  	[spmem:s18] =	stream.linear.scatter [tilespmem:s6], [sflag:$0x9], $0x800, $0x38;
	[tilespmem:$0x1BC10] =	vst v63  }
0x68: {  	_ =	swait.ge [sflag:s31], $0x800  }
0x69: {  	[sflag:s31] =	ssyncset.done $0x0  }
0x6a: {  	s28 =	rddreg [dreg:$0x17];
	[sflag:s31] =	ssyncadd.s32 $0xFFFFF800  }
0x6b: {  	[spmem:s28] =	stream.linear.scatter [tilespmem:s6], [sflag:$0x9], $0x800, $0x38;
	[tilespmem:$0x1BC10] =	vst v63  }
0x6c: {  	_ =	swait.ge [sflag:s31], $0x800  }
0x6d: {  	[sflag:s31] =	ssyncset.done $0x0  }
0x6e: {  	[sflag:s31] =	ssyncadd.s32 $0xFFFFF800  }
0x6f: {  	[spmem:s19] =	stream.linear.scatter [tilespmem:s6], [sflag:$0x9], $0x800, $0x38;
	[tilespmem:$0x1BC10] =	vst v63  }
0x70: {  	_ =	swait.ge [sflag:s31], $0x800  }
0x71: {  	[sflag:s31] =	ssyncset.done $0x0  }
0x72: {  	s30 =	rddreg [dreg:$0x18];
	[sflag:s31] =	ssyncadd.s32 $0xFFFFF800  }
0x73: {  	[spmem:s30] =	stream.linear.scatter [tilespmem:s6], [sflag:$0x9], $0x800, $0x38;
	[tilespmem:$0x1BC10] =	vst v63  }
0x74: {  	_ =	swait.ge [sflag:s31], $0x800  }
0x75: {  	[sflag:s31] =	ssyncset.done $0x0  }
0x76: {  	s9 =	rddreg [dreg:$0x19];
	[sflag:s31] =	ssyncadd.s32 $0xFFFFF800  }
0x77: {  	[spmem:s9] =	stream.linear.scatter [tilespmem:s6], [sflag:$0x9], $0x800, $0x38;
	[tilespmem:$0x1BC10] =	vst v63  }
0x78: {  	_ =	swait.ge [sflag:s31], $0x800  }
0x79: {  	[sflag:s31] =	ssyncset.done $0x0  }
0x7a: {  	s10 =	rddreg [dreg:$0x1a];
	[sflag:s31] =	ssyncadd.s32 $0xFFFFF800  }
0x7b: {  	[spmem:s10] =	stream.linear.scatter [tilespmem:s6], [sflag:$0x9], $0x800, $0x38;
	[tilespmem:$0x1BC10] =	vst v63  }
0x7c: {  	_ =	swait.ge [sflag:s31], $0x800  }
0x7d: {  	[sflag:s31] =	ssyncset.done $0x0  }
0x7e: {  	s11 =	rddreg [dreg:$0x1b];
	[sflag:s31] =	ssyncadd.s32 $0xFFFFF800  }
0x7f: {  	[spmem:s11] =	stream.linear.scatter [tilespmem:s6], [sflag:$0x9], $0x800, $0x38;
	[tilespmem:$0x1BC10] =	vst v63  }
0x80: {  	_ =	swait.ge [sflag:s31], $0x800  }
0x81: {  	[sflag:s31] =	ssyncset.done $0x0  }
0x82: {  	s17 =	rddreg [dreg:$0x1c];
	[sflag:s31] =	ssyncadd.s32 $0xFFFFF800  }
0x83: {  	[spmem:s17] =	stream.linear.scatter [tilespmem:s6], [sflag:$0x9], $0x800, $0x38;
	[tilespmem:$0x1BC10] =	vst v63  }
0x84: {  	_ =	swait.ge [sflag:s31], $0x800  }
0x85: {  	[sflag:s31] =	ssyncset.done $0x0  }
0x86: {  	s18 =	rddreg [dreg:$0x1d];
	[sflag:s31] =	ssyncadd.s32 $0xFFFFF800  }
0x87: {  	[spmem:s18] =	stream.linear.scatter [tilespmem:s6], [sflag:$0x9], $0x800, $0x38;
	[tilespmem:$0x1BC10] =	vst v63  }
0x88: {  	_ =	swait.ge [sflag:s31], $0x800  }
0x89: {  	[sflag:s31] =	ssyncset.done $0x0  }
0x8a: {  	s28 =	rddreg [dreg:$0x1e];
	[sflag:s31] =	ssyncadd.s32 $0xFFFFF800  }
0x8b: {  	[spmem:s28] =	stream.linear.scatter [tilespmem:s6], [sflag:$0x9], $0x800, $0x38;
	[tilespmem:$0x1BC10] =	vst v63  }
0x8c: {  	_ =	swait.ge [sflag:s31], $0x800  }
0x8d: {  	[sflag:s31] =	ssyncset.done $0x0  }
0x8e: {  	s30 =	rddreg [dreg:$0x1f];
	[sflag:s31] =	ssyncadd.s32 $0xFFFFF800  }
0x8f: {  	[spmem:s30] =	stream.linear.scatter [tilespmem:s6], [sflag:$0x9], $0x800, $0x38;
	[tilespmem:$0x1BC10] =	vst v63  }
0x90: {  	_ =	swait.ge [sflag:s31], $0x800  }
0x91: {  	s9 =	sld [smem:$0x7F7]  }
0x92: {  	[sflag:s31] =	ssyncset.done $0x0  }
0x93: {  	[sflag:s31] =	ssyncadd.s32 $0xFFFFF800  }
0x94: {  	[spmem:s9] =	stream.linear.scatter [tilespmem:s6], [sflag:$0x9], $0x800, $0x38;
	[tilespmem:$0x1BC10] =	vst v63  }
0x95: {  	_ =	swait.ge [sflag:s31], $0x800  }
0x96: {  	s10 =	sld [smem:$0x7F8]  }
0x97: {  	[sflag:s31] =	ssyncset.done $0x0  }
0x98: {  	[sflag:s31] =	ssyncadd.s32 $0xFFFFF800  }
0x99: {  	[spmem:s10] =	stream.linear.scatter [tilespmem:s6], [sflag:$0x9], $0x800, $0x38;
	[tilespmem:$0x1BC10] =	vst v63  }
0x9a: {  	_ =	swait.ge [sflag:s31], $0x800  }
0x9b: {  	s11 =	sld [smem:$0x7F9]  }
0x9c: {  	[sflag:s31] =	ssyncset.done $0x0  }
0x9d: {  	[sflag:s31] =	ssyncadd.s32 $0xFFFFF800  }
0x9e: {  	[spmem:s11] =	stream.linear.scatter [tilespmem:s6], [sflag:$0x9], $0x800, $0x38;
	[tilespmem:$0x1BC10] =	vst v63  }
0x9f: {  	_ =	swait.ge [sflag:s31], $0x800  }
0xa0: {  	s17 =	sld [smem:$0x7FA]  }
0xa1: {  	[sflag:s31] =	ssyncset.done $0x0  }
0xa2: {  	[sflag:s31] =	ssyncadd.s32 $0xFFFFF800  }
0xa3: {  	[spmem:s17] =	stream.linear.scatter [tilespmem:s6], [sflag:$0x9], $0x800, $0x38;
	[tilespmem:$0x1BC10] =	vst v63  }
0xa4: {  	_ =	swait.ge [sflag:s31], $0x800  }
0xa5: {  	s18 =	sld [smem:$0x7FB]  }
0xa6: {  	[sflag:s31] =	ssyncset.done $0x0  }
0xa7: {  	[sflag:s31] =	ssyncadd.s32 $0xFFFFF800  }
0xa8: {  	[spmem:s18] =	stream.linear.scatter [tilespmem:s6], [sflag:$0x9], $0x800, $0x38;
	[tilespmem:$0x1BC10] =	vst v63  }
0xa9: {  	_ =	swait.ge [sflag:s31], $0x800  }
0xaa: {  	s28 =	sld [smem:$0x7FC]  }
0xab: {  	[sflag:s31] =	ssyncset.done $0x0  }
0xac: {  	[sflag:s31] =	ssyncadd.s32 $0xFFFFF800  }
0xad: {  	[spmem:s28] =	stream.linear.scatter [tilespmem:s6], [sflag:$0x9], $0x800, $0x38;
	[tilespmem:$0x1BC10] =	vst v63  }
0xae: {  	_ =	swait.ge [sflag:s31], $0x800  }
0xaf: {  	s30 =	sld [smem:$0x7FD]  }
0xb0: {  	[sflag:s31] =	ssyncset.done $0x0  }
0xb1: {  	[sflag:s31] =	ssyncadd.s32 $0xFFFFF800  }
0xb2: {  	[spmem:s30] =	stream.linear.scatter [tilespmem:s6], [sflag:$0x9], $0x800, $0x38;
	[tilespmem:$0x1BC10] =	vst v63  }
0xb3: {  	_ =	swait.ge [sflag:s31], $0x800  }
0xb4: {  	[sflag:s31] =	ssyncset.done $0x0  }
0xb5: {  	[sflag:s31] =	ssyncadd.s32 $0xFFFFF800  }
0xb6: {  	s29 =	simm.s32 $0x0;
	[bflag:$0x0] =	sbarrier.arrive $0xFFFF  }
.LBB2_4:
0xb7: {  	s1 =	sshll.u32 s29, $0x1;
	s6 =	rddreg [dreg:$0x7]  }
0xb8: {  	s18 =	sand.u32 $0x1, s29;
	s6 =	sadd.s32 s6, s1  }
0xb9: {  	s9 =	sshll.u32 s18, $0xD;
	s10 =	sshll.u32 s6, $0xB  }
0xba: {  	s28 =	sshrl.u32 s9, $0x2;
	s10 =	sor.u32 s12, s10  }
0xbb: {  	s30 =	sor.u32 $0x10010, s28;
	s11 =	sadd.s32 s8, s10  }
0xbc: {  	[tilespmem:s30], [sflag:$0x7] =	stream.linear.gather [hbm4b:s11+s5], $0x400, $0x38;
	[tilespmem:$0x1BC10] =	vst v63  }
0xbd: {  	p0 =	seq.s32 s29, $0x0;
	s10 =	sadd.s32 s7, s10  }
0xbe: {  	[tilespmem:s0], [sflag:$0x7] =	stream.linear.gather [hbm4b:s10+s5], $0x400, $0x38;
	[tilespmem:$0x1BC10] =	vst v63  }
0xbf: {  	s10 =	simm.s32 @!p0 $0x5  }
0xc0: {  	_ =	swait.ge @!p0 [sflag:s10], $0x5000  }
0xc1: {  	[sflag:s10] =	ssyncset.done @!p0 $0x0  }
0xc2: {  	[sflag:s10] =	ssyncadd.s32 @!p0 $0xFFFFB000;
	s10 =	simm.s32 @!p0 $0x1  }
0xc3: {  	_ =	swait.ge @!p0 [sflag:s10], $0x1000  }
0xc4: {  	s9 =	sxor.u32 @!p0 $0x2000, s9;
	[sflag:s10] =	ssyncset.done @!p0 $0x0  }
0xc5: {  	s17 =	simm.s32 @!p0 $0x1B410;
	s9 =	sshrl.u32 @!p0 s9, $0x2;
	[sflag:s10] =	ssyncadd.s32 @!p0 $0xFFFFF000  }
0xc6: {  	s11 =	simm.s32 @!p0 $0x80;
	s10 =	sadd.s32 @!p0 $0x10010, s9;
	[bflag:$0x0] =	sbarrier.arrive @!p0 $0xFFFF  }
0xc7: {  	[spmem:s3] =	stream.indirect.scatter @!p0 [tilespmem:s17], [sflag:$0x8], $0x1, s10, s11, $0xb8;
	[tilespmem:$0x1BC10] =	vst v63  }
0xc8: {  	s10 =	sadd.s32 @!p0 $0x10090, s9  }
0xc9: {  	[spmem:s3] =	stream.indirect.scatter @!p0 [tilespmem:s17], [sflag:$0x8], $0x1, s10, s11, $0xb8;
	[tilespmem:$0x1BC10] =	vst v63  }
0xca: {  	s10 =	sadd.s32 @!p0 $0x10110, s9  }
0xcb: {  	[spmem:s3] =	stream.indirect.scatter @!p0 [tilespmem:s17], [sflag:$0x8], $0x1, s10, s11, $0xb8;
	[tilespmem:$0x1BC10] =	vst v63  }
0xcc: {  	s10 =	sadd.s32 @!p0 $0x10190, s9  }
0xcd: {  	[spmem:s3] =	stream.indirect.scatter @!p0 [tilespmem:s17], [sflag:$0x8], $0x1, s10, s11, $0xb8;
	[tilespmem:$0x1BC10] =	vst v63  }
0xce: {  	s10 =	sadd.s32 @!p0 $0x10210, s9  }
0xcf: {  	[spmem:s3] =	stream.indirect.scatter @!p0 [tilespmem:s17], [sflag:$0x8], $0x1, s10, s11, $0xb8;
	[tilespmem:$0x1BC10] =	vst v63  }
0xd0: {  	s10 =	sadd.s32 @!p0 $0x10290, s9  }
0xd1: {  	[spmem:s3] =	stream.indirect.scatter @!p0 [tilespmem:s17], [sflag:$0x8], $0x1, s10, s11, $0xb8;
	[tilespmem:$0x1BC10] =	vst v63  }
0xd2: {  	s10 =	sadd.s32 @!p0 $0x10310, s9  }
0xd3: {  	[spmem:s3] =	stream.indirect.scatter @!p0 [tilespmem:s17], [sflag:$0x8], $0x1, s10, s11, $0xb8;
	[tilespmem:$0x1BC10] =	vst v63  }
0xd4: {  	s9 =	sadd.s32 @!p0 $0x10390, s9  }
0xd5: {  	[spmem:s3] =	stream.indirect.scatter @!p0 [tilespmem:s17], [sflag:$0x8], $0x1, s9, s11, $0xb8;
	[tilespmem:$0x1BC10] =	vst v63  }
0xd6: {  	s9 =	simm.s32 @!p0 $0x8  }
0xd7: {  	_ =	swait.ge @!p0 [sflag:s9], $0x400  }
0xd8: {  	s11 =	smul.u32 $0x50000, s6;
	[sflag:s9] =	ssyncset.done @!p0 $0x0  }
0xd9: {  	[sflag:s9] =	ssyncadd.s32 @!p0 $0xFFFFFC00  }
0xda: {  	s10 =	sadd.s32 s13, s11;
	[bflag:$0x0] =	sbarrier.arrive @!p0 $0xFFFF  }
0xdb: {  	s1 =	sshll.u32 s18, $0xB;
	s17 =	sshrl.u32 s10, $0x3;
	s18 =	rddreg [dreg:$0x1]  }
0xdc: {  	s9 =	simm.s32 $0x11410;
	s11 =	sadd.s32 s18, s17  }
0xdd: {  	s10 =	simm.s32 $0x10;
	s17 =	simm.s32 $0x11510;
	s18 =	sadd.s32 $0x0, s11  }
.LBB2_5:
0xde: {  	[tilespmem:s9], [sflag:$0x3] =	stream.linear.gather [hbm4b:s18+s5], $0x80, $0x38;
	[tilespmem:$0x1BC10] =	vst v63  }
0xdf: {  	s18 =	smov.u32 s10;
	s9 =	smov.u32 s17;
	p1 =	sne.s32 s10, $0x9F0  }
.Ltmp1:
0xe0: {  	s10 =	sadd.s32 $0x10, s10;
	(pc) =	sbr.rel @p1 .LBB2_5-.Ltmp1, $2  }
0xe1: {  	_ =	sdelay $0x2  }
0xe2: {  	s17 =	sadd.s32 $0x100, s17;
	s18 =	sadd.s32 s18, s11  }
0xe3: {  	[tilespmem:s9], [sflag:$0x3] =	stream.linear.gather [hbm4b:s18+s5], $0x80, $0x38;
	[tilespmem:$0x1BC10] =	vst v63  }
0xe4: {  	_ =	swait.ge [sflag:s15], $0x400  }
0xe5: {  	[sflag:s15] =	ssyncset.done $0x0  }
0xe6: {  	[sflag:s15] =	ssyncadd.s32 $0xFFFFFC00  }
0xe7: {  	_ =	swait.ge [sflag:s15], $0x400  }
0xe8: {  	[sflag:s15] =	ssyncset.done $0x0  }
0xe9: {  	[sflag:s15] =	ssyncadd.s32 $0xFFFFFC00  }
0xea: {  	[spmem:s3] =	stream.indirect.scatter [tilespmem:s0], [sflag:$0x8], $0x1, s30, s16, $0xb8;
	[tilespmem:$0x1BC10] =	vst v63  }
0xeb: {  	s11 =	sadd.s32 $0x10090, s28;
	s10 =	simm.s32 $0x11090  }
0xec: {  	[spmem:s3] =	stream.indirect.scatter [tilespmem:s10], [sflag:$0x8], $0x1, s11, s16, $0xb8;
	[tilespmem:$0x1BC10] =	vst v63  }
0xed: {  	s17 =	sadd.s32 $0x10110, s28;
	s18 =	simm.s32 $0x11110  }
0xee: {  	[spmem:s3] =	stream.indirect.scatter [tilespmem:s18], [sflag:$0x8], $0x1, s17, s16, $0xb8;
	[tilespmem:$0x1BC10] =	vst v63  }
0xef: {  	s11 =	sadd.s32 $0x10190, s28;
	s17 =	simm.s32 $0x11190  }
0xf0: {  	[spmem:s3] =	stream.indirect.scatter [tilespmem:s17], [sflag:$0x8], $0x1, s11, s16, $0xb8;
	[tilespmem:$0x1BC10] =	vst v63  }
0xf1: {  	s18 =	sadd.s32 $0x10210, s28  }
0xf2: {  	[spmem:s3] =	stream.indirect.scatter [tilespmem:s20], [sflag:$0x8], $0x1, s18, s16, $0xb8;
	[tilespmem:$0x1BC10] =	vst v63  }
0xf3: {  	s10 =	sadd.s32 $0x10290, s28  }
0xf4: {  	[spmem:s3] =	stream.indirect.scatter [tilespmem:s21], [sflag:$0x8], $0x1, s10, s16, $0xb8;
	[tilespmem:$0x1BC10] =	vst v63  }
0xf5: {  	s11 =	sadd.s32 $0x10310, s28  }
0xf6: {  	[spmem:s3] =	stream.indirect.scatter [tilespmem:s22], [sflag:$0x8], $0x1, s11, s16, $0xb8;
	[tilespmem:$0x1BC10] =	vst v63  }
0xf7: {  	s17 =	sadd.s32 $0x10390, s28  }
0xf8: {  	[spmem:s3] =	stream.indirect.scatter [tilespmem:s23], [sflag:$0x8], $0x1, s17, s16, $0xb8;
	[tilespmem:$0x1BC10] =	vst v63  }
0xf9: {  	s9 =	smul.u32 $0xD0000, s6;
	_ =	swait.ge [sflag:s24], $0x400  }
0xfa: {  	[sflag:s24] =	ssyncset.done $0x0  }
0xfb: {  	s18 =	sadd.s32 s9, s14;
	s9 =	sadd.s32 s13, s9;
	[sflag:s24] =	ssyncadd.s32 $0xFFFFFC00  }
0xfc: {  	s9 =	sshrl.u32 s9, $0x3;
	s11 =	stileid.u32;
	[bflag:$0x0] =	sbarrier.arrive $0xFFFF  }
0xfd: {  	s10 =	sshrl.u32 s18, $0x3;
	s30 =	sshll.u32 s11, $0x6;
	s17 =	rddreg [dreg:$0x6]  }
0xfe: {  	s10 =	sadd.s32 s2, s10;
	s11 =	sor.u32 $0x1C01, s30;
	s17 =	sshrl.u32 s17, $0x3  }
0xff: {  	[hbm:s10], [sflag:s11] =	dma.local [spmem:s17], $0x1000  }
0x100: {  	s11 =	sadd.s32 s2, s9;
	_ =	swait.ge [sflag:s25], $0x5000  }
0x101: {  	s9 =	simm.s32 $0x11410;
	s10 =	simm.s32 $0x10;
	[sflag:s25] =	ssyncset.done $0x0  }
0x102: {  	s17 =	simm.s32 $0x11510;
	s18 =	sadd.s32 $0x0, s11;
	[sflag:s25] =	ssyncadd.s32 $0xFFFFB000  }
.LBB2_7:
0x103: {  	[hbm4b:s18+s5] =	stream.linear.scatter [tilespmem:s9], [sflag:$0x5], $0x80, $0x38;
	[tilespmem:$0x1BC10] =	vst v63  }
0x104: {  	s18 =	smov.u32 s10;
	s9 =	smov.u32 s17;
	p1 =	sne.s32 s10, $0x9F0  }
.Ltmp2:
0x105: {  	s10 =	sadd.s32 $0x10, s10;
	(pc) =	sbr.rel @p1 .LBB2_7-.Ltmp2, $2  }
0x106: {  	_ =	sdelay $0x2  }
0x107: {  	s17 =	sadd.s32 $0x100, s17;
	s18 =	sadd.s32 s18, s11  }
0x108: {  	[hbm4b:s18+s5] =	stream.linear.scatter [tilespmem:s9], [sflag:$0x5], $0x80, $0x38;
	[tilespmem:$0x1BC10] =	vst v63  }
0x109: {  	s6 =	sor.u32 $0x1, s6  }
0x10a: {  	s18 =	sshll.u32 s6, $0xB  }
0x10b: {  	s9 =	sor.u32 s12, s18  }
0x10c: {  	s11 =	sadd.s32 $0x10410, s28;
	s10 =	sadd.s32 s8, s9  }
0x10d: {  	[tilespmem:s11], [sflag:$0x7] =	stream.linear.gather [hbm4b:s10+s5], $0x400, $0x38;
	[tilespmem:$0x1BC10] =	vst v63  }
0x10e: {  	s9 =	sadd.s32 s7, s9  }
0x10f: {  	[tilespmem:s0], [sflag:$0x7] =	stream.linear.gather [hbm4b:s9+s5], $0x400, $0x38;
	[tilespmem:$0x1BC10] =	vst v63  }
0x110: {  	s9 =	simm.s32 @!p0 $0x6  }
0x111: {  	_ =	swait.ge @!p0 [sflag:s9], $0x5000  }
0x112: {  	[sflag:s9] =	ssyncset.done @!p0 $0x0  }
0x113: {  	[sflag:s9] =	ssyncadd.s32 @!p0 $0xFFFFB000;
	s9 =	simm.s32 @!p0 $0x2  }
0x114: {  	_ =	swait.ge @!p0 [sflag:s9], $0x1000  }
0x115: {  	[sflag:s9] =	ssyncset.done @!p0 $0x0  }
0x116: {  	s1 =	sxor.u32 @!p0 $0xC00, s1;
	s17 =	simm.s32 @!p0 $0x1B410;
	[sflag:s9] =	ssyncadd.s32 @!p0 $0xFFFFF000  }
0x117: {  	s10 =	simm.s32 @!p0 $0x80;
	s9 =	sadd.s32 @!p0 $0x10010, s1;
	[bflag:$0x0] =	sbarrier.arrive @!p0 $0xFFFF  }
0x118: {  	[spmem:s4] =	stream.indirect.scatter @!p0 [tilespmem:s17], [sflag:$0x8], $0x1, s9, s10, $0xb8;
	[tilespmem:$0x1BC10] =	vst v63  }
0x119: {  	s9 =	sadd.s32 @!p0 $0x10090, s1  }
0x11a: {  	[spmem:s4] =	stream.indirect.scatter @!p0 [tilespmem:s17], [sflag:$0x8], $0x1, s9, s10, $0xb8;
	[tilespmem:$0x1BC10] =	vst v63  }
0x11b: {  	s9 =	sadd.s32 @!p0 $0x10110, s1  }
0x11c: {  	[spmem:s4] =	stream.indirect.scatter @!p0 [tilespmem:s17], [sflag:$0x8], $0x1, s9, s10, $0xb8;
	[tilespmem:$0x1BC10] =	vst v63  }
0x11d: {  	s9 =	sadd.s32 @!p0 $0x10190, s1  }
0x11e: {  	[spmem:s4] =	stream.indirect.scatter @!p0 [tilespmem:s17], [sflag:$0x8], $0x1, s9, s10, $0xb8;
	[tilespmem:$0x1BC10] =	vst v63  }
0x11f: {  	s9 =	sadd.s32 @!p0 $0x10210, s1  }
0x120: {  	[spmem:s4] =	stream.indirect.scatter @!p0 [tilespmem:s17], [sflag:$0x8], $0x1, s9, s10, $0xb8;
	[tilespmem:$0x1BC10] =	vst v63  }
0x121: {  	s9 =	sadd.s32 @!p0 $0x10290, s1  }
0x122: {  	[spmem:s4] =	stream.indirect.scatter @!p0 [tilespmem:s17], [sflag:$0x8], $0x1, s9, s10, $0xb8;
	[tilespmem:$0x1BC10] =	vst v63  }
0x123: {  	s9 =	sadd.s32 @!p0 $0x10310, s1  }
0x124: {  	[spmem:s4] =	stream.indirect.scatter @!p0 [tilespmem:s17], [sflag:$0x8], $0x1, s9, s10, $0xb8;
	[tilespmem:$0x1BC10] =	vst v63  }
0x125: {  	s1 =	sadd.s32 @!p0 $0x10390, s1  }
0x126: {  	[spmem:s4] =	stream.indirect.scatter @!p0 [tilespmem:s17], [sflag:$0x8], $0x1, s1, s10, $0xb8;
	[tilespmem:$0x1BC10] =	vst v63  }
0x127: {  	s1 =	simm.s32 @!p0 $0x8  }
0x128: {  	_ =	swait.ge @!p0 [sflag:s1], $0x400  }
0x129: {  	s10 =	smul.u32 $0x50000, s6;
	[sflag:s1] =	ssyncset.done @!p0 $0x0  }
0x12a: {  	[sflag:s1] =	ssyncadd.s32 @!p0 $0xFFFFFC00  }
0x12b: {  	s9 =	sadd.s32 s13, s10;
	[bflag:$0x0] =	sbarrier.arrive @!p0 $0xFFFF  }
0x12c: {  	s17 =	sshrl.u32 s9, $0x3;
	s18 =	rddreg [dreg:$0x1]  }
0x12d: {  	s10 =	simm.s32 $0x10;
	s1 =	sadd.s32 s18, s17  }
0x12e: {  	s9 =	simm.s32 $0x11490;
	s17 =	simm.s32 $0x11590;
	s18 =	sadd.s32 $0x0, s1  }
.LBB2_9:
0x12f: {  	[tilespmem:s9], [sflag:$0x4] =	stream.linear.gather [hbm4b:s18+s5], $0x80, $0x38;
	[tilespmem:$0x1BC10] =	vst v63  }
0x130: {  	s18 =	smov.u32 s10;
	s9 =	smov.u32 s17;
	p0 =	sne.s32 s10, $0x9F0  }
.Ltmp3:
0x131: {  	s10 =	sadd.s32 $0x10, s10;
	(pc) =	sbr.rel @p0 .LBB2_9-.Ltmp3, $2  }
0x132: {  	_ =	sdelay $0x2  }
0x133: {  	s17 =	sadd.s32 $0x100, s17;
	s18 =	sadd.s32 s18, s1  }
0x134: {  	[tilespmem:s9], [sflag:$0x4] =	stream.linear.gather [hbm4b:s18+s5], $0x80, $0x38;
	[tilespmem:$0x1BC10] =	vst v63  }
0x135: {  	_ =	swait.ge [sflag:s15], $0x400  }
0x136: {  	[sflag:s15] =	ssyncset.done $0x0  }
0x137: {  	[sflag:s15] =	ssyncadd.s32 $0xFFFFFC00  }
0x138: {  	_ =	swait.ge [sflag:s15], $0x400  }
0x139: {  	[sflag:s15] =	ssyncset.done $0x0  }
0x13a: {  	[sflag:s15] =	ssyncadd.s32 $0xFFFFFC00  }
0x13b: {  	[spmem:s4] =	stream.indirect.scatter [tilespmem:s0], [sflag:$0x8], $0x1, s11, s16, $0xb8;
	[tilespmem:$0x1BC10] =	vst v63  }
0x13c: {  	s1 =	sadd.s32 $0x10490, s28;
	s18 =	simm.s32 $0x11090  }
0x13d: {  	[spmem:s4] =	stream.indirect.scatter [tilespmem:s18], [sflag:$0x8], $0x1, s1, s16, $0xb8;
	[tilespmem:$0x1BC10] =	vst v63  }
0x13e: {  	s10 =	sadd.s32 $0x10510, s28;
	s11 =	simm.s32 $0x11110  }
0x13f: {  	[spmem:s4] =	stream.indirect.scatter [tilespmem:s11], [sflag:$0x8], $0x1, s10, s16, $0xb8;
	[tilespmem:$0x1BC10] =	vst v63  }
0x140: {  	s17 =	sadd.s32 $0x10590, s28;
	s18 =	simm.s32 $0x11190  }
0x141: {  	[spmem:s4] =	stream.indirect.scatter [tilespmem:s18], [sflag:$0x8], $0x1, s17, s16, $0xb8;
	[tilespmem:$0x1BC10] =	vst v63  }
0x142: {  	s10 =	sadd.s32 $0x10610, s28  }
0x143: {  	[spmem:s4] =	stream.indirect.scatter [tilespmem:s20], [sflag:$0x8], $0x1, s10, s16, $0xb8;
	[tilespmem:$0x1BC10] =	vst v63  }
0x144: {  	s11 =	sadd.s32 $0x10690, s28  }
0x145: {  	[spmem:s4] =	stream.indirect.scatter [tilespmem:s21], [sflag:$0x8], $0x1, s11, s16, $0xb8;
	[tilespmem:$0x1BC10] =	vst v63  }
0x146: {  	s17 =	sadd.s32 $0x10710, s28  }
0x147: {  	[spmem:s4] =	stream.indirect.scatter [tilespmem:s22], [sflag:$0x8], $0x1, s17, s16, $0xb8;
	[tilespmem:$0x1BC10] =	vst v63  }
0x148: {  	s18 =	sadd.s32 $0x10790, s28;
	s28 =	smul.u32 $0xD0000, s6  }
0x149: {  	[spmem:s4] =	stream.indirect.scatter [tilespmem:s23], [sflag:$0x8], $0x1, s18, s16, $0xb8;
	[tilespmem:$0x1BC10] =	vst v63  }
0x14a: {  	s30 =	sor.u32 $0x1C02, s30;
	_ =	swait.ge [sflag:s24], $0x400  }
0x14b: {  	s6 =	sadd.s32 s28, s14;
	s10 =	sshrl.u32 s19, $0x3;
	[sflag:s24] =	ssyncset.done $0x0  }
0x14c: {  	s1 =	sadd.s32 s13, s28;
	s6 =	sshrl.u32 s6, $0x3;
	[sflag:s24] =	ssyncadd.s32 $0xFFFFFC00  }
0x14d: {  	s1 =	sshrl.u32 s1, $0x3;
	s6 =	sadd.s32 s2, s6;
	[bflag:$0x0] =	sbarrier.arrive $0xFFFF  }
0x14e: {  	[hbm:s6], [sflag:s30] =	dma.local [spmem:s10], $0x1000  }
0x14f: {  	s1 =	sadd.s32 s2, s1;
	_ =	swait.ge [sflag:s26], $0x5000  }
0x150: {  	s9 =	simm.s32 $0x10;
	s11 =	sadd.s32 $0x0, s1;
	[sflag:s26] =	ssyncset.done $0x0  }
0x151: {  	s6 =	simm.s32 $0x11490;
	s10 =	simm.s32 $0x11590;
	[sflag:s26] =	ssyncadd.s32 $0xFFFFB000  }
.LBB2_11:
0x152: {  	[hbm4b:s11+s5] =	stream.linear.scatter [tilespmem:s6], [sflag:$0x6], $0x80, $0x38;
	[tilespmem:$0x1BC10] =	vst v63  }
0x153: {  	s11 =	smov.u32 s9;
	s6 =	smov.u32 s10;
	p0 =	sne.s32 s9, $0x9F0  }
.Ltmp4:
0x154: {  	s9 =	sadd.s32 $0x10, s9;
	(pc) =	sbr.rel @p0 .LBB2_11-.Ltmp4, $2  }
0x155: {  	_ =	sdelay $0x2  }
0x156: {  	s10 =	sadd.s32 $0x100, s10;
	s11 =	sadd.s32 s11, s1  }
0x157: {  	s29 =	sadd.s32 $0x1, s29  }
0x158: {  	p0 =	sne.s32 s29, $0x4  }
.Ltmp5:
0x159: {  	_ = 	snop;
	(pc) =	sbr.rel @p0 .LBB2_4-.Ltmp5, $2  }
0x15a: {  	_ =	sdelay $0x2  }
0x15b: {  	[hbm4b:s11+s5] =	stream.linear.scatter [tilespmem:s6], [sflag:$0x6], $0x80, $0x38;
	[tilespmem:$0x1BC10] =	vst v63  }
0x15c: {  	s1 =	simm.s32 $0x5  }
0x15d: {  	_ =	swait.ge [sflag:s1], $0x5000  }
0x15e: {  	[sflag:s1] =	ssyncset.done $0x0  }
0x15f: {  	s28 =	simm.s32 $0x1;
	[sflag:s1] =	ssyncadd.s32 $0xFFFFB000  }
0x160: {  	_ =	swait.ge [sflag:s28], $0x1000  }
0x161: {  	[sflag:s28] =	ssyncset.done $0x0  }
0x162: {  	s29 =	simm.s32 $0x6;
	[sflag:s28] =	ssyncadd.s32 $0xFFFFF000  }
0x163: {  	_ =	swait.ge [sflag:s29], $0x5000  }
0x164: {  	[sflag:s29] =	ssyncset.done $0x0  }
0x165: {  	s6 =	simm.s32 $0x2;
	[sflag:s29] =	ssyncadd.s32 $0xFFFFB000  }
0x166: {  	_ =	swait.ge [sflag:s6], $0x1000  }
0x167: {  	s9 =	sld [smem:$0x7F6];
	_ =	sdelay $0x2  }
0x168: {  	s30 =	rddreg [dreg:$0x8];
	s9 =	sadd.s32 $0x1, s9  }
0x169: {  	p0 =	sne.s32 s9, s30  }
.Ltmp6:
0x16a: {  	_ = 	snop;
	(pc) =	sbr.rel @p0 .LBB2_1-.Ltmp6, $3  }
0x16b: {  	_ =	sdelay $0x1  }
0x16c: {  	[sflag:s6] =	ssyncset.done $0x0  }
0x16d: {  	[sflag:s6] =	ssyncadd.s32 $0xFFFFF000  }
0x16e: {  	_ =	sfence.sel $0x180000  }
0x16f: {  	[bflag:$0x0] =	sbarrier.arrive $0xFFFF  }
0x170: {  	_ =	strace $0x90000047  }
0x171: {  	s0 =	stileid.u32;
	[bflag:$0x2] =	sbarrier.arrive $0xFFFF  }
0x172: {  	p0 =	sne.s32 s0, $0x0;
	s0 =	rddreg [dreg:$0x5]  }
0x173: {  	s0 =	sadd.s32 @!p0 $0x100000, s0  }
0x174: {  	[sflag:s0] =	ssyncadd.tile.s32 @!p0 $0x1;
	_ =	shalt  }
.Lfunc_end2:
_tile_overlayer_lowered:
.L_overlay_start_2:
0x175: {  	(tag) =	ssettag $0x2  }
0x176: {  	s0 =	rddreg [dreg:$0x0];
	s2 =	stileid.u32  }
0x177: {  	s1 =	rddreg [dreg:$0x1];
	p0 =	sne.s32 s2, $0x0  }
0x178: {  	s3 =	rddreg [dreg:$0x2];
	[bflag:$0x3] =	sbarrier.arrive $0xFFFF;
	s2 =	simm.s32 @!p0 $0x1C09  }
0x179: {  	[timem:s3], [sflag:s2] =	dma.local @!p0 [hbm:s0], s1  }
0x17a: {  	s0 =	simm.s32 @!p0 $0x9  }
0x17b: {  	_ =	swait.ge @!p0 [sflag:s0], s1  }
0x17c: {  	s1 =	ssub.s32 @!p0 $0x0, s1;
	[sflag:s0] =	ssyncset.done @!p0 $0x0  }
0x17d: {  	[sflag:s0] =	ssyncadd.s32 @!p0 s1  }
0x17e: {  	[bflag:$0x3] =	sbarrier.arrive $0xFFFF  }
0x17f: {  	_ =	shalt  }

</sc_bundles>
